<compile_context>
chip_gen: v7x
topology: tpu7x:2x2x1
jax: 0.10.2.dev20260603
libtpu: 0.0.44.dev20260713+nightly
codegen_flags: <defaults>
</compile_context>

<pallas_src>
import functools

import jax
import jax.numpy as jnp
from jax import lax
from jax.experimental import pallas as pl
from jax.experimental.pallas import tpu as pltpu
from jax.experimental.pallas import tpu_sc as plsc

EMB_DIM = 128
BATCH = 16384
NUM_RANK = 15
NUM_SUIT = 5
NUM_COMB = NUM_RANK * NUM_SUIT

NC = 2
NS = 16
L = 16
NW = NC * NS
BPW = BATCH // NW
CHUNK = 64
NCHUNK = BPW // CHUNK


def _prep_body(rank_ref, suit_ref, rid_ref, sid_ref, comb_ref, idx_ref):
    for r in range(NUM_RANK):
        comb_ref[pl.ds(r * NUM_SUIT, NUM_SUIT), :] = (
            suit_ref[...] + rank_ref[r, :][None, :])
    idx_ref[...] = rid_ref[...] * NUM_SUIT + sid_ref[...]


_prep = pl.pallas_call(
    _prep_body,
    out_shape=(
        jax.ShapeDtypeStruct((NUM_COMB, EMB_DIM), jnp.float32),
        jax.ShapeDtypeStruct((BATCH // EMB_DIM, EMB_DIM), jnp.int32),
    ),
)


@functools.partial(
    pl.kernel,
    mesh=plsc.VectorSubcoreMesh(core_axis_name="c", subcore_axis_name="s"),
    out_type=jax.ShapeDtypeStruct((BATCH, EMB_DIM), jnp.float32),
    scratch_types=[
        pltpu.VMEM((BPW,), jnp.int32),
        pltpu.VMEM((NCHUNK, CHUNK, EMB_DIM), jnp.float32),
        pltpu.VMEM_SHARED((NUM_COMB, EMB_DIM), jnp.float32),
        pltpu.SemaphoreType.DMA((NCHUNK,)),
        pltpu.SemaphoreType.DMA,
        pltpu.SemaphoreType.DMA,
    ],
)
def _sc_lookup(table_hbm, idx_hbm, out_hbm,
               idx_v, rows_v, table_sp, gsems, isem, osem):
    sid = lax.axis_index("s")
    wid = sid * NC + lax.axis_index("c")
    base = wid * BPW
    ld_i = pltpu.async_copy(idx_hbm.at[pl.ds(base, BPW)], idx_v, isem)

    QSIZE = 24
    for q in range(4):
        nrows = min(QSIZE, NUM_COMB - q * QSIZE)

        @pl.when(sid == q)
        def _(q=q, nrows=nrows):
            pltpu.sync_copy(table_hbm.at[pl.ds(q * QSIZE, nrows)],
                            table_sp.at[pl.ds(q * QSIZE, nrows)])

    ld_i.wait()
    plsc.subcore_barrier()
    gathers = [
        pltpu.async_copy(table_sp.at[idx_v.at[pl.ds(j * CHUNK, CHUNK)]],
                         rows_v.at[j], gsems.at[j])
        for j in range(NCHUNK)
    ]
    scatters = []
    for j in range(NCHUNK):
        gathers[j].wait()
        scatters.append(pltpu.async_copy(
            rows_v.at[j], out_hbm.at[pl.ds(base + j * CHUNK, CHUNK)], osem))
    for s in scatters:
        s.wait()


def kernel(rank_id, suit_id, rank_emb, suit_emb):
    rid = rank_id.astype(jnp.int32).reshape(BATCH // EMB_DIM, EMB_DIM)
    sid = suit_id.astype(jnp.int32).reshape(BATCH // EMB_DIM, EMB_DIM)
    comb, idx = _prep(rank_emb, suit_emb, rid, sid)
    return _sc_lookup(comb, idx.reshape(BATCH))

# --- scband reference (transcript-rebuilt; emitter-appended) ---
"""Pipeline reference for scband-card-embedding-66984309948577 (READ-ONLY COPY).

The authoritative reference and input builder live on the scoring server;
editing this copy changes nothing except your own understanding.
"""

import jax, jax.numpy as jnp
import numpy as np

EMB_DIM = 128
BATCH = 16384


def setup_inputs(seed: int = 0) -> dict:
    key = jax.random.key(seed)
    k1, k2, k3, k4 = jax.random.split(key, 4)
    rank_id = jax.random.randint(k1, (BATCH,), 0, 15, dtype=jnp.int64 if jax.config.jax_enable_x64 else jnp.int32)
    suit_id = jax.random.randint(k2, (BATCH,), 0, 5, dtype=jnp.int64 if jax.config.jax_enable_x64 else jnp.int32)
    rank_emb = jax.random.normal(k3, (15, EMB_DIM), dtype=jnp.float32)
    suit_emb = jax.random.normal(k4, (5, EMB_DIM), dtype=jnp.float32)
    return {"rank_id": rank_id, "suit_id": suit_id, "rank_emb": rank_emb, "suit_emb": suit_emb}


def reference(rank_id, suit_id, rank_emb, suit_emb):
    # Faithful translation of CardEmbedding.forward, batched over cards:
    # r = rank_emb(rank_id); s = suit_emb(suit_id); return r + s
    r = jnp.take(rank_emb, rank_id, axis=0)
    s = jnp.take(suit_emb, suit_id, axis=0)
    return r + s

if __name__ == "__main__":
    import jax
    _d = setup_inputs()
    print(jax.jit(kernel)(*tuple(_d.values())))

</pallas_src>

<mosaic_0001>
#map = affine_map<(d0, d1) -> (0, 0)>
#map1 = affine_map<(d0, d1) -> (0)>
module attributes {stable_mosaic.version = 14 : i64} {
  func.func @_sc_lookup(%arg0: i32, %arg1: i32, %arg2: memref<75x128xf32, #tpu.memory_space<hbm>>, %arg3: memref<16384xi32, #tpu.memory_space<hbm>>, %arg4: memref<16384x128xf32, #tpu.memory_space<hbm>>, %arg5: memref<512xi32, #tpu.memory_space<vmem>>, %arg6: memref<8x64x128xf32, #tpu.memory_space<vmem>>, %arg7: memref<75x128xf32, #tpu.memory_space<vmem_shared>>, %arg8: memref<8x!tpu.dma_semaphore, #tpu.memory_space<semaphore_mem>>, %arg9: memref<!tpu.dma_semaphore, #tpu.memory_space<semaphore_mem>>, %arg10: memref<!tpu.dma_semaphore, #tpu.memory_space<semaphore_mem>>) attributes {dimension_semantics = [#tpu.dimension_semantics<core_parallel>, #tpu.dimension_semantics<subcore_parallel>], iteration_bounds = array<i64: 2, 16>, scalar_prefetch = 0 : i64, scratch_operands = 6 : i64, tpu.core_type = #tpu.core_type<sc_vector_subcore>, window_params = [{transform_indices = #map}, {transform_indices = #map1}, {transform_indices = #map}]} {
    %mul3A = arith.constant 2 : i32
    %mul3A_0 = arith.muli %arg1, %mul3A : i32
    %add3A = arith.addi %mul3A_0, %arg0 : i32
    %mul3A_1 = arith.constant 512 : i32
    %mul3A_2 = arith.muli %add3A, %mul3A_1 : i32
    %dma_start3A = tpu.memref_slice %arg3[%mul3A_2] : memref<16384xi32, #tpu.memory_space<hbm>> -> memref<512xi32, #tpu.memory_space<hbm>>
    %dma_start3A_3 = tpu.memref_slice %arg3[%mul3A_2] : memref<16384xi32, #tpu.memory_space<hbm>> -> memref<512xi32, #tpu.memory_space<hbm>>
    tpu.enqueue_dma source(%dma_start3A_3 : memref<512xi32, #tpu.memory_space<hbm>>) target(%arg5 : memref<512xi32, #tpu.memory_space<vmem>>) target_semaphore(%arg9 : memref<!tpu.dma_semaphore, #tpu.memory_space<semaphore_mem>>)
    %eq3A = arith.constant 0 : i32
    %eq3A_4 = arith.cmpi eq, %arg1, %eq3A : i32
    %convert_element_type3A = arith.extui %eq3A_4 : i1 to i32
    %cond3A = arith.constant 0 : i32
    %cond3A_5 = arith.cmpi ne, %convert_element_type3A, %cond3A : i32
    scf.if %cond3A_5 {
      "tpu.region"() ({
        %run_scoped3A = tpu.sem_alloc : memref<!tpu.dma_semaphore, #tpu.memory_space<semaphore_mem>>
        %dma_start3A_454 = arith.constant 0 : i32
        %dma_start3A_455 = arith.constant 0 : i32
        %dma_start3A_456 = tpu.memref_slice %arg7[%dma_start3A_454, %dma_start3A_455] : memref<75x128xf32, #tpu.memory_space<vmem_shared>> -> memref<24x128xf32, #tpu.memory_space<vmem_shared>>
        %dma_start3A_457 = arith.constant 0 : i32
        %dma_start3A_458 = arith.constant 0 : i32
        %dma_start3A_459 = tpu.memref_slice %arg2[%dma_start3A_457, %dma_start3A_458] : memref<75x128xf32, #tpu.memory_space<hbm>> -> memref<24x128xf32, #tpu.memory_space<hbm>>
        tpu.enqueue_dma source(%dma_start3A_459 : memref<24x128xf32, #tpu.memory_space<hbm>>) target(%dma_start3A_456 : memref<24x128xf32, #tpu.memory_space<vmem_shared>>) target_semaphore(%run_scoped3A : memref<!tpu.dma_semaphore, #tpu.memory_space<semaphore_mem>>)
        %dma_wait3A_460 = arith.constant 0 : i32
        %dma_wait3A_461 = arith.constant 0 : i32
        %dma_wait3A_462 = tpu.memref_slice %arg7[%dma_wait3A_460, %dma_wait3A_461] : memref<75x128xf32, #tpu.memory_space<vmem_shared>> -> memref<24x128xf32, #tpu.memory_space<vmem_shared>>
        %dma_wait3A_463 = arith.constant 0 : i32
        %dma_wait3A_464 = arith.constant 0 : i32
        %dma_wait3A_465 = tpu.memref_slice %arg2[%dma_wait3A_463, %dma_wait3A_464] : memref<75x128xf32, #tpu.memory_space<hbm>> -> memref<24x128xf32, #tpu.memory_space<hbm>>
        tpu.wait_dma2 semaphore(%run_scoped3A : memref<!tpu.dma_semaphore, #tpu.memory_space<semaphore_mem>>) src(%dma_wait3A_465 : memref<24x128xf32, #tpu.memory_space<hbm>>) dst(%dma_wait3A_462 : memref<24x128xf32, #tpu.memory_space<vmem_shared>>)
        tpu.yield
      }) : () -> ()
    } else {
    }
    %eq3A_6 = arith.constant 1 : i32
    %eq3A_7 = arith.cmpi eq, %arg1, %eq3A_6 : i32
    %convert_element_type3A_8 = arith.extui %eq3A_7 : i1 to i32
    %cond3A_9 = arith.constant 0 : i32
    %cond3A_10 = arith.cmpi ne, %convert_element_type3A_8, %cond3A_9 : i32
    scf.if %cond3A_10 {
      "tpu.region"() ({
        %run_scoped3A = tpu.sem_alloc : memref<!tpu.dma_semaphore, #tpu.memory_space<semaphore_mem>>
        %dma_start3A_454 = arith.constant 24 : i32
        %dma_start3A_455 = arith.constant 0 : i32
        %dma_start3A_456 = tpu.memref_slice %arg7[%dma_start3A_454, %dma_start3A_455] : memref<75x128xf32, #tpu.memory_space<vmem_shared>> -> memref<24x128xf32, #tpu.memory_space<vmem_shared>>
        %dma_start3A_457 = arith.constant 24 : i32
        %dma_start3A_458 = arith.constant 0 : i32
        %dma_start3A_459 = tpu.memref_slice %arg2[%dma_start3A_457, %dma_start3A_458] : memref<75x128xf32, #tpu.memory_space<hbm>> -> memref<24x128xf32, #tpu.memory_space<hbm>>
        tpu.enqueue_dma source(%dma_start3A_459 : memref<24x128xf32, #tpu.memory_space<hbm>>) target(%dma_start3A_456 : memref<24x128xf32, #tpu.memory_space<vmem_shared>>) target_semaphore(%run_scoped3A : memref<!tpu.dma_semaphore, #tpu.memory_space<semaphore_mem>>)
        %dma_wait3A_460 = arith.constant 24 : i32
        %dma_wait3A_461 = arith.constant 0 : i32
        %dma_wait3A_462 = tpu.memref_slice %arg7[%dma_wait3A_460, %dma_wait3A_461] : memref<75x128xf32, #tpu.memory_space<vmem_shared>> -> memref<24x128xf32, #tpu.memory_space<vmem_shared>>
        %dma_wait3A_463 = arith.constant 24 : i32
        %dma_wait3A_464 = arith.constant 0 : i32
        %dma_wait3A_465 = tpu.memref_slice %arg2[%dma_wait3A_463, %dma_wait3A_464] : memref<75x128xf32, #tpu.memory_space<hbm>> -> memref<24x128xf32, #tpu.memory_space<hbm>>
        tpu.wait_dma2 semaphore(%run_scoped3A : memref<!tpu.dma_semaphore, #tpu.memory_space<semaphore_mem>>) src(%dma_wait3A_465 : memref<24x128xf32, #tpu.memory_space<hbm>>) dst(%dma_wait3A_462 : memref<24x128xf32, #tpu.memory_space<vmem_shared>>)
        tpu.yield
      }) : () -> ()
    } else {
    }
    %eq3A_11 = arith.constant 2 : i32
    %eq3A_12 = arith.cmpi eq, %arg1, %eq3A_11 : i32
    %convert_element_type3A_13 = arith.extui %eq3A_12 : i1 to i32
    %cond3A_14 = arith.constant 0 : i32
    %cond3A_15 = arith.cmpi ne, %convert_element_type3A_13, %cond3A_14 : i32
    scf.if %cond3A_15 {
      "tpu.region"() ({
        %run_scoped3A = tpu.sem_alloc : memref<!tpu.dma_semaphore, #tpu.memory_space<semaphore_mem>>
        %dma_start3A_454 = arith.constant 48 : i32
        %dma_start3A_455 = arith.constant 0 : i32
        %dma_start3A_456 = tpu.memref_slice %arg7[%dma_start3A_454, %dma_start3A_455] : memref<75x128xf32, #tpu.memory_space<vmem_shared>> -> memref<24x128xf32, #tpu.memory_space<vmem_shared>>
        %dma_start3A_457 = arith.constant 48 : i32
        %dma_start3A_458 = arith.constant 0 : i32
        %dma_start3A_459 = tpu.memref_slice %arg2[%dma_start3A_457, %dma_start3A_458] : memref<75x128xf32, #tpu.memory_space<hbm>> -> memref<24x128xf32, #tpu.memory_space<hbm>>
        tpu.enqueue_dma source(%dma_start3A_459 : memref<24x128xf32, #tpu.memory_space<hbm>>) target(%dma_start3A_456 : memref<24x128xf32, #tpu.memory_space<vmem_shared>>) target_semaphore(%run_scoped3A : memref<!tpu.dma_semaphore, #tpu.memory_space<semaphore_mem>>)
        %dma_wait3A_460 = arith.constant 48 : i32
        %dma_wait3A_461 = arith.constant 0 : i32
        %dma_wait3A_462 = tpu.memref_slice %arg7[%dma_wait3A_460, %dma_wait3A_461] : memref<75x128xf32, #tpu.memory_space<vmem_shared>> -> memref<24x128xf32, #tpu.memory_space<vmem_shared>>
        %dma_wait3A_463 = arith.constant 48 : i32
        %dma_wait3A_464 = arith.constant 0 : i32
        %dma_wait3A_465 = tpu.memref_slice %arg2[%dma_wait3A_463, %dma_wait3A_464] : memref<75x128xf32, #tpu.memory_space<hbm>> -> memref<24x128xf32, #tpu.memory_space<hbm>>
        tpu.wait_dma2 semaphore(%run_scoped3A : memref<!tpu.dma_semaphore, #tpu.memory_space<semaphore_mem>>) src(%dma_wait3A_465 : memref<24x128xf32, #tpu.memory_space<hbm>>) dst(%dma_wait3A_462 : memref<24x128xf32, #tpu.memory_space<vmem_shared>>)
        tpu.yield
      }) : () -> ()
    } else {
    }
    %eq3A_16 = arith.constant 3 : i32
    %eq3A_17 = arith.cmpi eq, %arg1, %eq3A_16 : i32
    %convert_element_type3A_18 = arith.extui %eq3A_17 : i1 to i32
    %cond3A_19 = arith.constant 0 : i32
    %cond3A_20 = arith.cmpi ne, %convert_element_type3A_18, %cond3A_19 : i32
    scf.if %cond3A_20 {
      "tpu.region"() ({
        %run_scoped3A = tpu.sem_alloc : memref<!tpu.dma_semaphore, #tpu.memory_space<semaphore_mem>>
        %dma_start3A_454 = arith.constant 72 : i32
        %dma_start3A_455 = arith.constant 0 : i32
        %dma_start3A_456 = tpu.memref_slice %arg7[%dma_start3A_454, %dma_start3A_455] : memref<75x128xf32, #tpu.memory_space<vmem_shared>> -> memref<3x128xf32, #tpu.memory_space<vmem_shared>>
        %dma_start3A_457 = arith.constant 72 : i32
        %dma_start3A_458 = arith.constant 0 : i32
        %dma_start3A_459 = tpu.memref_slice %arg2[%dma_start3A_457, %dma_start3A_458] : memref<75x128xf32, #tpu.memory_space<hbm>> -> memref<3x128xf32, #tpu.memory_space<hbm>>
        tpu.enqueue_dma source(%dma_start3A_459 : memref<3x128xf32, #tpu.memory_space<hbm>>) target(%dma_start3A_456 : memref<3x128xf32, #tpu.memory_space<vmem_shared>>) target_semaphore(%run_scoped3A : memref<!tpu.dma_semaphore, #tpu.memory_space<semaphore_mem>>)
        %dma_wait3A_460 = arith.constant 72 : i32
        %dma_wait3A_461 = arith.constant 0 : i32
        %dma_wait3A_462 = tpu.memref_slice %arg7[%dma_wait3A_460, %dma_wait3A_461] : memref<75x128xf32, #tpu.memory_space<vmem_shared>> -> memref<3x128xf32, #tpu.memory_space<vmem_shared>>
        %dma_wait3A_463 = arith.constant 72 : i32
        %dma_wait3A_464 = arith.constant 0 : i32
        %dma_wait3A_465 = tpu.memref_slice %arg2[%dma_wait3A_463, %dma_wait3A_464] : memref<75x128xf32, #tpu.memory_space<hbm>> -> memref<3x128xf32, #tpu.memory_space<hbm>>
        tpu.wait_dma2 semaphore(%run_scoped3A : memref<!tpu.dma_semaphore, #tpu.memory_space<semaphore_mem>>) src(%dma_wait3A_465 : memref<3x128xf32, #tpu.memory_space<hbm>>) dst(%dma_wait3A_462 : memref<3x128xf32, #tpu.memory_space<vmem_shared>>)
        tpu.yield
      }) : () -> ()
    } else {
    }
    %dma_wait3A = tpu.memref_slice %arg3[%mul3A_2] : memref<16384xi32, #tpu.memory_space<hbm>> -> memref<512xi32, #tpu.memory_space<hbm>>
    %dma_wait3A_21 = tpu.memref_slice %arg3[%mul3A_2] : memref<16384xi32, #tpu.memory_space<hbm>> -> memref<512xi32, #tpu.memory_space<hbm>>
    tpu.wait_dma2 semaphore(%arg9 : memref<!tpu.dma_semaphore, #tpu.memory_space<semaphore_mem>>) src(%dma_wait3A_21 : memref<512xi32, #tpu.memory_space<hbm>>) dst(%arg5 : memref<512xi32, #tpu.memory_space<vmem>>)
    %barrier3A = arith.constant 0 : index
    tpu.barrier barrier_id(%barrier3A)
    %dma_start3A_22 = arith.constant 0 : i32
    %dma_start3A_23 = arith.constant 0 : i32
    %dma_start3A_24 = arith.constant 0 : i32
    %dma_start3A_25 = arith.constant 0 : i32
    %dma_start3A_26 = tpu.memref_slice %arg6[%dma_start3A_22, %dma_start3A_24, %dma_start3A_25] : memref<8x64x128xf32, #tpu.memory_space<vmem>> -> memref<1x64x128xf32, #tpu.memory_space<vmem>>
    %dma_start3A_27 = tpu.memref_squeeze %dma_start3A_26 : memref<1x64x128xf32, #tpu.memory_space<vmem>> -> memref<64x128xf32, #tpu.memory_space<vmem>>
    %dma_start3A_28 = arith.constant 0 : i32
    %dma_start3A_29 = tpu.memref_slice %arg5[%dma_start3A_28] : memref<512xi32, #tpu.memory_space<vmem>> -> memref<64xi32, #tpu.memory_space<vmem>>
    %dma_start3A_30 = arith.constant 0 : i32
    %dma_start3A_31 = arith.constant 0 : i32
    %dma_start3A_32 = tpu.memref_slice %arg7[%dma_start3A_30, %dma_start3A_31] : memref<75x128xf32, #tpu.memory_space<vmem_shared>> -> memref<75x128xf32, #tpu.memory_space<vmem_shared>>
    %dma_start3A_33 = tpu.memref_slice %arg8[%dma_start3A_23] : memref<8x!tpu.dma_semaphore, #tpu.memory_space<semaphore_mem>> -> memref<1x!tpu.dma_semaphore, #tpu.memory_space<semaphore_mem>>
    %dma_start3A_34 = tpu.memref_squeeze %dma_start3A_33 : memref<1x!tpu.dma_semaphore, #tpu.memory_space<semaphore_mem>> -> memref<!tpu.dma_semaphore, #tpu.memory_space<semaphore_mem>>
    tpu.enqueue_indirect_dma source(%dma_start3A_32 : memref<75x128xf32, #tpu.memory_space<vmem_shared>>) target(%dma_start3A_27 : memref<64x128xf32, #tpu.memory_space<vmem>>) offsets(%dma_start3A_29 : memref<64xi32, #tpu.memory_space<vmem>>) semaphore(%dma_start3A_34 : memref<!tpu.dma_semaphore, #tpu.memory_space<semaphore_mem>>)
    %dma_start3A_35 = arith.constant 1 : i32
    %dma_start3A_36 = arith.constant 1 : i32
    %dma_start3A_37 = arith.constant 0 : i32
    %dma_start3A_38 = arith.constant 0 : i32
    %dma_start3A_39 = tpu.memref_slice %arg6[%dma_start3A_35, %dma_start3A_37, %dma_start3A_38] : memref<8x64x128xf32, #tpu.memory_space<vmem>> -> memref<1x64x128xf32, #tpu.memory_space<vmem>>
    %dma_start3A_40 = tpu.memref_squeeze %dma_start3A_39 : memref<1x64x128xf32, #tpu.memory_space<vmem>> -> memref<64x128xf32, #tpu.memory_space<vmem>>
    %dma_start3A_41 = arith.constant 64 : i32
    %dma_start3A_42 = tpu.memref_slice %arg5[%dma_start3A_41] : memref<512xi32, #tpu.memory_space<vmem>> -> memref<64xi32, #tpu.memory_space<vmem>>
    %dma_start3A_43 = arith.constant 0 : i32
    %dma_start3A_44 = arith.constant 0 : i32
    %dma_start3A_45 = tpu.memref_slice %arg7[%dma_start3A_43, %dma_start3A_44] : memref<75x128xf32, #tpu.memory_space<vmem_shared>> -> memref<75x128xf32, #tpu.memory_space<vmem_shared>>
    %dma_start3A_46 = tpu.memref_slice %arg8[%dma_start3A_36] : memref<8x!tpu.dma_semaphore, #tpu.memory_space<semaphore_mem>> -> memref<1x!tpu.dma_semaphore, #tpu.memory_space<semaphore_mem>>
    %dma_start3A_47 = tpu.memref_squeeze %dma_start3A_46 : memref<1x!tpu.dma_semaphore, #tpu.memory_space<semaphore_mem>> -> memref<!tpu.dma_semaphore, #tpu.memory_space<semaphore_mem>>
    tpu.enqueue_indirect_dma source(%dma_start3A_45 : memref<75x128xf32, #tpu.memory_space<vmem_shared>>) target(%dma_start3A_40 : memref<64x128xf32, #tpu.memory_space<vmem>>) offsets(%dma_start3A_42 : memref<64xi32, #tpu.memory_space<vmem>>) semaphore(%dma_start3A_47 : memref<!tpu.dma_semaphore, #tpu.memory_space<semaphore_mem>>)
    %dma_start3A_48 = arith.constant 2 : i32
    %dma_start3A_49 = arith.constant 2 : i32
    %dma_start3A_50 = arith.constant 0 : i32
    %dma_start3A_51 = arith.constant 0 : i32
    %dma_start3A_52 = tpu.memref_slice %arg6[%dma_start3A_48, %dma_start3A_50, %dma_start3A_51] : memref<8x64x128xf32, #tpu.memory_space<vmem>> -> memref<1x64x128xf32, #tpu.memory_space<vmem>>
    %dma_start3A_53 = tpu.memref_squeeze %dma_start3A_52 : memref<1x64x128xf32, #tpu.memory_space<vmem>> -> memref<64x128xf32, #tpu.memory_space<vmem>>
    %dma_start3A_54 = arith.constant 128 : i32
    %dma_start3A_55 = tpu.memref_slice %arg5[%dma_start3A_54] : memref<512xi32, #tpu.memory_space<vmem>> -> memref<64xi32, #tpu.memory_space<vmem>>
    %dma_start3A_56 = arith.constant 0 : i32
    %dma_start3A_57 = arith.constant 0 : i32
    %dma_start3A_58 = tpu.memref_slice %arg7[%dma_start3A_56, %dma_start3A_57] : memref<75x128xf32, #tpu.memory_space<vmem_shared>> -> memref<75x128xf32, #tpu.memory_space<vmem_shared>>
    %dma_start3A_59 = tpu.memref_slice %arg8[%dma_start3A_49] : memref<8x!tpu.dma_semaphore, #tpu.memory_space<semaphore_mem>> -> memref<1x!tpu.dma_semaphore, #tpu.memory_space<semaphore_mem>>
    %dma_start3A_60 = tpu.memref_squeeze %dma_start3A_59 : memref<1x!tpu.dma_semaphore, #tpu.memory_space<semaphore_mem>> -> memref<!tpu.dma_semaphore, #tpu.memory_space<semaphore_mem>>
    tpu.enqueue_indirect_dma source(%dma_start3A_58 : memref<75x128xf32, #tpu.memory_space<vmem_shared>>) target(%dma_start3A_53 : memref<64x128xf32, #tpu.memory_space<vmem>>) offsets(%dma_start3A_55 : memref<64xi32, #tpu.memory_space<vmem>>) semaphore(%dma_start3A_60 : memref<!tpu.dma_semaphore, #tpu.memory_space<semaphore_mem>>)
    %dma_start3A_61 = arith.constant 3 : i32
    %dma_start3A_62 = arith.constant 3 : i32
    %dma_start3A_63 = arith.constant 0 : i32
    %dma_start3A_64 = arith.constant 0 : i32
    %dma_start3A_65 = tpu.memref_slice %arg6[%dma_start3A_61, %dma_start3A_63, %dma_start3A_64] : memref<8x64x128xf32, #tpu.memory_space<vmem>> -> memref<1x64x128xf32, #tpu.memory_space<vmem>>
    %dma_start3A_66 = tpu.memref_squeeze %dma_start3A_65 : memref<1x64x128xf32, #tpu.memory_space<vmem>> -> memref<64x128xf32, #tpu.memory_space<vmem>>
    %dma_start3A_67 = arith.constant 192 : i32
    %dma_start3A_68 = tpu.memref_slice %arg5[%dma_start3A_67] : memref<512xi32, #tpu.memory_space<vmem>> -> memref<64xi32, #tpu.memory_space<vmem>>
    %dma_start3A_69 = arith.constant 0 : i32
    %dma_start3A_70 = arith.constant 0 : i32
    %dma_start3A_71 = tpu.memref_slice %arg7[%dma_start3A_69, %dma_start3A_70] : memref<75x128xf32, #tpu.memory_space<vmem_shared>> -> memref<75x128xf32, #tpu.memory_space<vmem_shared>>
    %dma_start3A_72 = tpu.memref_slice %arg8[%dma_start3A_62] : memref<8x!tpu.dma_semaphore, #tpu.memory_space<semaphore_mem>> -> memref<1x!tpu.dma_semaphore, #tpu.memory_space<semaphore_mem>>
    %dma_start3A_73 = tpu.memref_squeeze %dma_start3A_72 : memref<1x!tpu.dma_semaphore, #tpu.memory_space<semaphore_mem>> -> memref<!tpu.dma_semaphore, #tpu.memory_space<semaphore_mem>>
    tpu.enqueue_indirect_dma source(%dma_start3A_71 : memref<75x128xf32, #tpu.memory_space<vmem_shared>>) target(%dma_start3A_66 : memref<64x128xf32, #tpu.memory_space<vmem>>) offsets(%dma_start3A_68 : memref<64xi32, #tpu.memory_space<vmem>>) semaphore(%dma_start3A_73 : memref<!tpu.dma_semaphore, #tpu.memory_space<semaphore_mem>>)
    %dma_start3A_74 = arith.constant 4 : i32
    %dma_start3A_75 = arith.constant 4 : i32
    %dma_start3A_76 = arith.constant 0 : i32
    %dma_start3A_77 = arith.constant 0 : i32
    %dma_start3A_78 = tpu.memref_slice %arg6[%dma_start3A_74, %dma_start3A_76, %dma_start3A_77] : memref<8x64x128xf32, #tpu.memory_space<vmem>> -> memref<1x64x128xf32, #tpu.memory_space<vmem>>
    %dma_start3A_79 = tpu.memref_squeeze %dma_start3A_78 : memref<1x64x128xf32, #tpu.memory_space<vmem>> -> memref<64x128xf32, #tpu.memory_space<vmem>>
    %dma_start3A_80 = arith.constant 256 : i32
    %dma_start3A_81 = tpu.memref_slice %arg5[%dma_start3A_80] : memref<512xi32, #tpu.memory_space<vmem>> -> memref<64xi32, #tpu.memory_space<vmem>>
    %dma_start3A_82 = arith.constant 0 : i32
    %dma_start3A_83 = arith.constant 0 : i32
    %dma_start3A_84 = tpu.memref_slice %arg7[%dma_start3A_82, %dma_start3A_83] : memref<75x128xf32, #tpu.memory_space<vmem_shared>> -> memref<75x128xf32, #tpu.memory_space<vmem_shared>>
    %dma_start3A_85 = tpu.memref_slice %arg8[%dma_start3A_75] : memref<8x!tpu.dma_semaphore, #tpu.memory_space<semaphore_mem>> -> memref<1x!tpu.dma_semaphore, #tpu.memory_space<semaphore_mem>>
    %dma_start3A_86 = tpu.memref_squeeze %dma_start3A_85 : memref<1x!tpu.dma_semaphore, #tpu.memory_space<semaphore_mem>> -> memref<!tpu.dma_semaphore, #tpu.memory_space<semaphore_mem>>
    tpu.enqueue_indirect_dma source(%dma_start3A_84 : memref<75x128xf32, #tpu.memory_space<vmem_shared>>) target(%dma_start3A_79 : memref<64x128xf32, #tpu.memory_space<vmem>>) offsets(%dma_start3A_81 : memref<64xi32, #tpu.memory_space<vmem>>) semaphore(%dma_start3A_86 : memref<!tpu.dma_semaphore, #tpu.memory_space<semaphore_mem>>)
    %dma_start3A_87 = arith.constant 5 : i32
    %dma_start3A_88 = arith.constant 5 : i32
    %dma_start3A_89 = arith.constant 0 : i32
    %dma_start3A_90 = arith.constant 0 : i32
    %dma_start3A_91 = tpu.memref_slice %arg6[%dma_start3A_87, %dma_start3A_89, %dma_start3A_90] : memref<8x64x128xf32, #tpu.memory_space<vmem>> -> memref<1x64x128xf32, #tpu.memory_space<vmem>>
    %dma_start3A_92 = tpu.memref_squeeze %dma_start3A_91 : memref<1x64x128xf32, #tpu.memory_space<vmem>> -> memref<64x128xf32, #tpu.memory_space<vmem>>
    %dma_start3A_93 = arith.constant 320 : i32
    %dma_start3A_94 = tpu.memref_slice %arg5[%dma_start3A_93] : memref<512xi32, #tpu.memory_space<vmem>> -> memref<64xi32, #tpu.memory_space<vmem>>
    %dma_start3A_95 = arith.constant 0 : i32
    %dma_start3A_96 = arith.constant 0 : i32
    %dma_start3A_97 = tpu.memref_slice %arg7[%dma_start3A_95, %dma_start3A_96] : memref<75x128xf32, #tpu.memory_space<vmem_shared>> -> memref<75x128xf32, #tpu.memory_space<vmem_shared>>
    %dma_start3A_98 = tpu.memref_slice %arg8[%dma_start3A_88] : memref<8x!tpu.dma_semaphore, #tpu.memory_space<semaphore_mem>> -> memref<1x!tpu.dma_semaphore, #tpu.memory_space<semaphore_mem>>
    %dma_start3A_99 = tpu.memref_squeeze %dma_start3A_98 : memref<1x!tpu.dma_semaphore, #tpu.memory_space<semaphore_mem>> -> memref<!tpu.dma_semaphore, #tpu.memory_space<semaphore_mem>>
    tpu.enqueue_indirect_dma source(%dma_start3A_97 : memref<75x128xf32, #tpu.memory_space<vmem_shared>>) target(%dma_start3A_92 : memref<64x128xf32, #tpu.memory_space<vmem>>) offsets(%dma_start3A_94 : memref<64xi32, #tpu.memory_space<vmem>>) semaphore(%dma_start3A_99 : memref<!tpu.dma_semaphore, #tpu.memory_space<semaphore_mem>>)
    %dma_start3A_100 = arith.constant 6 : i32
    %dma_start3A_101 = arith.constant 6 : i32
    %dma_start3A_102 = arith.constant 0 : i32
    %dma_start3A_103 = arith.constant 0 : i32
    %dma_start3A_104 = tpu.memref_slice %arg6[%dma_start3A_100, %dma_start3A_102, %dma_start3A_103] : memref<8x64x128xf32, #tpu.memory_space<vmem>> -> memref<1x64x128xf32, #tpu.memory_space<vmem>>
    %dma_start3A_105 = tpu.memref_squeeze %dma_start3A_104 : memref<1x64x128xf32, #tpu.memory_space<vmem>> -> memref<64x128xf32, #tpu.memory_space<vmem>>
    %dma_start3A_106 = arith.constant 384 : i32
    %dma_start3A_107 = tpu.memref_slice %arg5[%dma_start3A_106] : memref<512xi32, #tpu.memory_space<vmem>> -> memref<64xi32, #tpu.memory_space<vmem>>
    %dma_start3A_108 = arith.constant 0 : i32
    %dma_start3A_109 = arith.constant 0 : i32
    %dma_start3A_110 = tpu.memref_slice %arg7[%dma_start3A_108, %dma_start3A_109] : memref<75x128xf32, #tpu.memory_space<vmem_shared>> -> memref<75x128xf32, #tpu.memory_space<vmem_shared>>
    %dma_start3A_111 = tpu.memref_slice %arg8[%dma_start3A_101] : memref<8x!tpu.dma_semaphore, #tpu.memory_space<semaphore_mem>> -> memref<1x!tpu.dma_semaphore, #tpu.memory_space<semaphore_mem>>
    %dma_start3A_112 = tpu.memref_squeeze %dma_start3A_111 : memref<1x!tpu.dma_semaphore, #tpu.memory_space<semaphore_mem>> -> memref<!tpu.dma_semaphore, #tpu.memory_space<semaphore_mem>>
    tpu.enqueue_indirect_dma source(%dma_start3A_110 : memref<75x128xf32, #tpu.memory_space<vmem_shared>>) target(%dma_start3A_105 : memref<64x128xf32, #tpu.memory_space<vmem>>) offsets(%dma_start3A_107 : memref<64xi32, #tpu.memory_space<vmem>>) semaphore(%dma_start3A_112 : memref<!tpu.dma_semaphore, #tpu.memory_space<semaphore_mem>>)
    %dma_start3A_113 = arith.constant 7 : i32
    %dma_start3A_114 = arith.constant 7 : i32
    %dma_start3A_115 = arith.constant 0 : i32
    %dma_start3A_116 = arith.constant 0 : i32
    %dma_start3A_117 = tpu.memref_slice %arg6[%dma_start3A_113, %dma_start3A_115, %dma_start3A_116] : memref<8x64x128xf32, #tpu.memory_space<vmem>> -> memref<1x64x128xf32, #tpu.memory_space<vmem>>
    %dma_start3A_118 = tpu.memref_squeeze %dma_start3A_117 : memref<1x64x128xf32, #tpu.memory_space<vmem>> -> memref<64x128xf32, #tpu.memory_space<vmem>>
    %dma_start3A_119 = arith.constant 448 : i32
    %dma_start3A_120 = tpu.memref_slice %arg5[%dma_start3A_119] : memref<512xi32, #tpu.memory_space<vmem>> -> memref<64xi32, #tpu.memory_space<vmem>>
    %dma_start3A_121 = arith.constant 0 : i32
    %dma_start3A_122 = arith.constant 0 : i32
    %dma_start3A_123 = tpu.memref_slice %arg7[%dma_start3A_121, %dma_start3A_122] : memref<75x128xf32, #tpu.memory_space<vmem_shared>> -> memref<75x128xf32, #tpu.memory_space<vmem_shared>>
    %dma_start3A_124 = tpu.memref_slice %arg8[%dma_start3A_114] : memref<8x!tpu.dma_semaphore, #tpu.memory_space<semaphore_mem>> -> memref<1x!tpu.dma_semaphore, #tpu.memory_space<semaphore_mem>>
    %dma_start3A_125 = tpu.memref_squeeze %dma_start3A_124 : memref<1x!tpu.dma_semaphore, #tpu.memory_space<semaphore_mem>> -> memref<!tpu.dma_semaphore, #tpu.memory_space<semaphore_mem>>
    tpu.enqueue_indirect_dma source(%dma_start3A_123 : memref<75x128xf32, #tpu.memory_space<vmem_shared>>) target(%dma_start3A_118 : memref<64x128xf32, #tpu.memory_space<vmem>>) offsets(%dma_start3A_120 : memref<64xi32, #tpu.memory_space<vmem>>) semaphore(%dma_start3A_125 : memref<!tpu.dma_semaphore, #tpu.memory_space<semaphore_mem>>)
    %dma_wait3A_126 = arith.constant 0 : i32
    %dma_wait3A_127 = arith.constant 0 : i32
    %dma_wait3A_128 = arith.constant 0 : i32
    %dma_wait3A_129 = arith.constant 0 : i32
    %dma_wait3A_130 = tpu.memref_slice %arg6[%dma_wait3A_126, %dma_wait3A_128, %dma_wait3A_129] : memref<8x64x128xf32, #tpu.memory_space<vmem>> -> memref<1x64x128xf32, #tpu.memory_space<vmem>>
    %dma_wait3A_131 = tpu.memref_squeeze %dma_wait3A_130 : memref<1x64x128xf32, #tpu.memory_space<vmem>> -> memref<64x128xf32, #tpu.memory_space<vmem>>
    %dma_wait3A_132 = arith.constant 0 : i32
    %dma_wait3A_133 = tpu.memref_slice %arg5[%dma_wait3A_132] : memref<512xi32, #tpu.memory_space<vmem>> -> memref<64xi32, #tpu.memory_space<vmem>>
    %dma_wait3A_134 = arith.constant 0 : i32
    %dma_wait3A_135 = arith.constant 0 : i32
    %dma_wait3A_136 = tpu.memref_slice %arg7[%dma_wait3A_134, %dma_wait3A_135] : memref<75x128xf32, #tpu.memory_space<vmem_shared>> -> memref<75x128xf32, #tpu.memory_space<vmem_shared>>
    %dma_wait3A_137 = tpu.memref_slice %arg8[%dma_wait3A_127] : memref<8x!tpu.dma_semaphore, #tpu.memory_space<semaphore_mem>> -> memref<1x!tpu.dma_semaphore, #tpu.memory_space<semaphore_mem>>
    %dma_wait3A_138 = tpu.memref_squeeze %dma_wait3A_137 : memref<1x!tpu.dma_semaphore, #tpu.memory_space<semaphore_mem>> -> memref<!tpu.dma_semaphore, #tpu.memory_space<semaphore_mem>>
    tpu.wait_indirect_dma semaphore(%dma_wait3A_138 : memref<!tpu.dma_semaphore, #tpu.memory_space<semaphore_mem>>) src(%dma_wait3A_136 : memref<75x128xf32, #tpu.memory_space<vmem_shared>>) dst(%dma_wait3A_131 : memref<64x128xf32, #tpu.memory_space<vmem>>)
    %add3A_139 = arith.constant 0 : i32
    %add3A_140 = arith.addi %mul3A_2, %add3A_139 : i32
    %dma_start3A_141 = arith.constant 0 : i32
    %dma_start3A_142 = arith.constant 0 : i32
    %dma_start3A_143 = arith.constant 0 : i32
    %dma_start3A_144 = tpu.memref_slice %arg6[%dma_start3A_141, %dma_start3A_142, %dma_start3A_143] : memref<8x64x128xf32, #tpu.memory_space<vmem>> -> memref<1x64x128xf32, #tpu.memory_space<vmem>>
    %dma_start3A_145 = tpu.memref_squeeze %dma_start3A_144 : memref<1x64x128xf32, #tpu.memory_space<vmem>> -> memref<64x128xf32, #tpu.memory_space<vmem>>
    %dma_start3A_146 = arith.constant 0 : i32
    %dma_start3A_147 = tpu.memref_slice %arg4[%add3A_140, %dma_start3A_146] : memref<16384x128xf32, #tpu.memory_space<hbm>> -> memref<64x128xf32, #tpu.memory_space<hbm>>
    %dma_start3A_148 = arith.constant 0 : i32
    %dma_start3A_149 = tpu.memref_slice %arg4[%add3A_140, %dma_start3A_148] : memref<16384x128xf32, #tpu.memory_space<hbm>> -> memref<64x128xf32, #tpu.memory_space<hbm>>
    %dma_start3A_150 = arith.constant 0 : i32
    %dma_start3A_151 = arith.constant 0 : i32
    %dma_start3A_152 = tpu.memref_slice %arg6[%dma_start3A_141, %dma_start3A_150, %dma_start3A_151] : memref<8x64x128xf32, #tpu.memory_space<vmem>> -> memref<1x64x128xf32, #tpu.memory_space<vmem>>
    %dma_start3A_153 = tpu.memref_squeeze %dma_start3A_152 : memref<1x64x128xf32, #tpu.memory_space<vmem>> -> memref<64x128xf32, #tpu.memory_space<vmem>>
    tpu.enqueue_dma source(%dma_start3A_153 : memref<64x128xf32, #tpu.memory_space<vmem>>) target(%dma_start3A_149 : memref<64x128xf32, #tpu.memory_space<hbm>>) target_semaphore(%arg10 : memref<!tpu.dma_semaphore, #tpu.memory_space<semaphore_mem>>)
    %dma_wait3A_154 = arith.constant 1 : i32
    %dma_wait3A_155 = arith.constant 1 : i32
    %dma_wait3A_156 = arith.constant 0 : i32
    %dma_wait3A_157 = arith.constant 0 : i32
    %dma_wait3A_158 = tpu.memref_slice %arg6[%dma_wait3A_154, %dma_wait3A_156, %dma_wait3A_157] : memref<8x64x128xf32, #tpu.memory_space<vmem>> -> memref<1x64x128xf32, #tpu.memory_space<vmem>>
    %dma_wait3A_159 = tpu.memref_squeeze %dma_wait3A_158 : memref<1x64x128xf32, #tpu.memory_space<vmem>> -> memref<64x128xf32, #tpu.memory_space<vmem>>
    %dma_wait3A_160 = arith.constant 64 : i32
    %dma_wait3A_161 = tpu.memref_slice %arg5[%dma_wait3A_160] : memref<512xi32, #tpu.memory_space<vmem>> -> memref<64xi32, #tpu.memory_space<vmem>>
    %dma_wait3A_162 = arith.constant 0 : i32
    %dma_wait3A_163 = arith.constant 0 : i32
    %dma_wait3A_164 = tpu.memref_slice %arg7[%dma_wait3A_162, %dma_wait3A_163] : memref<75x128xf32, #tpu.memory_space<vmem_shared>> -> memref<75x128xf32, #tpu.memory_space<vmem_shared>>
    %dma_wait3A_165 = tpu.memref_slice %arg8[%dma_wait3A_155] : memref<8x!tpu.dma_semaphore, #tpu.memory_space<semaphore_mem>> -> memref<1x!tpu.dma_semaphore, #tpu.memory_space<semaphore_mem>>
    %dma_wait3A_166 = tpu.memref_squeeze %dma_wait3A_165 : memref<1x!tpu.dma_semaphore, #tpu.memory_space<semaphore_mem>> -> memref<!tpu.dma_semaphore, #tpu.memory_space<semaphore_mem>>
    tpu.wait_indirect_dma semaphore(%dma_wait3A_166 : memref<!tpu.dma_semaphore, #tpu.memory_space<semaphore_mem>>) src(%dma_wait3A_164 : memref<75x128xf32, #tpu.memory_space<vmem_shared>>) dst(%dma_wait3A_159 : memref<64x128xf32, #tpu.memory_space<vmem>>)
    %add3A_167 = arith.constant 64 : i32
    %add3A_168 = arith.addi %mul3A_2, %add3A_167 : i32
    %dma_start3A_169 = arith.constant 1 : i32
    %dma_start3A_170 = arith.constant 0 : i32
    %dma_start3A_171 = arith.constant 0 : i32
    %dma_start3A_172 = tpu.memref_slice %arg6[%dma_start3A_169, %dma_start3A_170, %dma_start3A_171] : memref<8x64x128xf32, #tpu.memory_space<vmem>> -> memref<1x64x128xf32, #tpu.memory_space<vmem>>
    %dma_start3A_173 = tpu.memref_squeeze %dma_start3A_172 : memref<1x64x128xf32, #tpu.memory_space<vmem>> -> memref<64x128xf32, #tpu.memory_space<vmem>>
    %dma_start3A_174 = arith.constant 0 : i32
    %dma_start3A_175 = tpu.memref_slice %arg4[%add3A_168, %dma_start3A_174] : memref<16384x128xf32, #tpu.memory_space<hbm>> -> memref<64x128xf32, #tpu.memory_space<hbm>>
    %dma_start3A_176 = arith.constant 0 : i32
    %dma_start3A_177 = tpu.memref_slice %arg4[%add3A_168, %dma_start3A_176] : memref<16384x128xf32, #tpu.memory_space<hbm>> -> memref<64x128xf32, #tpu.memory_space<hbm>>
    %dma_start3A_178 = arith.constant 0 : i32
    %dma_start3A_179 = arith.constant 0 : i32
    %dma_start3A_180 = tpu.memref_slice %arg6[%dma_start3A_169, %dma_start3A_178, %dma_start3A_179] : memref<8x64x128xf32, #tpu.memory_space<vmem>> -> memref<1x64x128xf32, #tpu.memory_space<vmem>>
    %dma_start3A_181 = tpu.memref_squeeze %dma_start3A_180 : memref<1x64x128xf32, #tpu.memory_space<vmem>> -> memref<64x128xf32, #tpu.memory_space<vmem>>
    tpu.enqueue_dma source(%dma_start3A_181 : memref<64x128xf32, #tpu.memory_space<vmem>>) target(%dma_start3A_177 : memref<64x128xf32, #tpu.memory_space<hbm>>) target_semaphore(%arg10 : memref<!tpu.dma_semaphore, #tpu.memory_space<semaphore_mem>>)
    %dma_wait3A_182 = arith.constant 2 : i32
    %dma_wait3A_183 = arith.constant 2 : i32
    %dma_wait3A_184 = arith.constant 0 : i32
    %dma_wait3A_185 = arith.constant 0 : i32
    %dma_wait3A_186 = tpu.memref_slice %arg6[%dma_wait3A_182, %dma_wait3A_184, %dma_wait3A_185] : memref<8x64x128xf32, #tpu.memory_space<vmem>> -> memref<1x64x128xf32, #tpu.memory_space<vmem>>
    %dma_wait3A_187 = tpu.memref_squeeze %dma_wait3A_186 : memref<1x64x128xf32, #tpu.memory_space<vmem>> -> memref<64x128xf32, #tpu.memory_space<vmem>>
    %dma_wait3A_188 = arith.constant 128 : i32
    %dma_wait3A_189 = tpu.memref_slice %arg5[%dma_wait3A_188] : memref<512xi32, #tpu.memory_space<vmem>> -> memref<64xi32, #tpu.memory_space<vmem>>
    %dma_wait3A_190 = arith.constant 0 : i32
    %dma_wait3A_191 = arith.constant 0 : i32
    %dma_wait3A_192 = tpu.memref_slice %arg7[%dma_wait3A_190, %dma_wait3A_191] : memref<75x128xf32, #tpu.memory_space<vmem_shared>> -> memref<75x128xf32, #tpu.memory_space<vmem_shared>>
    %dma_wait3A_193 = tpu.memref_slice %arg8[%dma_wait3A_183] : memref<8x!tpu.dma_semaphore, #tpu.memory_space<semaphore_mem>> -> memref<1x!tpu.dma_semaphore, #tpu.memory_space<semaphore_mem>>
    %dma_wait3A_194 = tpu.memref_squeeze %dma_wait3A_193 : memref<1x!tpu.dma_semaphore, #tpu.memory_space<semaphore_mem>> -> memref<!tpu.dma_semaphore, #tpu.memory_space<semaphore_mem>>
    tpu.wait_indirect_dma semaphore(%dma_wait3A_194 : memref<!tpu.dma_semaphore, #tpu.memory_space<semaphore_mem>>) src(%dma_wait3A_192 : memref<75x128xf32, #tpu.memory_space<vmem_shared>>) dst(%dma_wait3A_187 : memref<64x128xf32, #tpu.memory_space<vmem>>)
    %add3A_195 = arith.constant 128 : i32
    %add3A_196 = arith.addi %mul3A_2, %add3A_195 : i32
    %dma_start3A_197 = arith.constant 2 : i32
    %dma_start3A_198 = arith.constant 0 : i32
    %dma_start3A_199 = arith.constant 0 : i32
    %dma_start3A_200 = tpu.memref_slice %arg6[%dma_start3A_197, %dma_start3A_198, %dma_start3A_199] : memref<8x64x128xf32, #tpu.memory_space<vmem>> -> memref<1x64x128xf32, #tpu.memory_space<vmem>>
    %dma_start3A_201 = tpu.memref_squeeze %dma_start3A_200 : memref<1x64x128xf32, #tpu.memory_space<vmem>> -> memref<64x128xf32, #tpu.memory_space<vmem>>
    %dma_start3A_202 = arith.constant 0 : i32
    %dma_start3A_203 = tpu.memref_slice %arg4[%add3A_196, %dma_start3A_202] : memref<16384x128xf32, #tpu.memory_space<hbm>> -> memref<64x128xf32, #tpu.memory_space<hbm>>
    %dma_start3A_204 = arith.constant 0 : i32
    %dma_start3A_205 = tpu.memref_slice %arg4[%add3A_196, %dma_start3A_204] : memref<16384x128xf32, #tpu.memory_space<hbm>> -> memref<64x128xf32, #tpu.memory_space<hbm>>
    %dma_start3A_206 = arith.constant 0 : i32
    %dma_start3A_207 = arith.constant 0 : i32
    %dma_start3A_208 = tpu.memref_slice %arg6[%dma_start3A_197, %dma_start3A_206, %dma_start3A_207] : memref<8x64x128xf32, #tpu.memory_space<vmem>> -> memref<1x64x128xf32, #tpu.memory_space<vmem>>
    %dma_start3A_209 = tpu.memref_squeeze %dma_start3A_208 : memref<1x64x128xf32, #tpu.memory_space<vmem>> -> memref<64x128xf32, #tpu.memory_space<vmem>>
    tpu.enqueue_dma source(%dma_start3A_209 : memref<64x128xf32, #tpu.memory_space<vmem>>) target(%dma_start3A_205 : memref<64x128xf32, #tpu.memory_space<hbm>>) target_semaphore(%arg10 : memref<!tpu.dma_semaphore, #tpu.memory_space<semaphore_mem>>)
    %dma_wait3A_210 = arith.constant 3 : i32
    %dma_wait3A_211 = arith.constant 3 : i32
    %dma_wait3A_212 = arith.constant 0 : i32
    %dma_wait3A_213 = arith.constant 0 : i32
    %dma_wait3A_214 = tpu.memref_slice %arg6[%dma_wait3A_210, %dma_wait3A_212, %dma_wait3A_213] : memref<8x64x128xf32, #tpu.memory_space<vmem>> -> memref<1x64x128xf32, #tpu.memory_space<vmem>>
    %dma_wait3A_215 = tpu.memref_squeeze %dma_wait3A_214 : memref<1x64x128xf32, #tpu.memory_space<vmem>> -> memref<64x128xf32, #tpu.memory_space<vmem>>
    %dma_wait3A_216 = arith.constant 192 : i32
    %dma_wait3A_217 = tpu.memref_slice %arg5[%dma_wait3A_216] : memref<512xi32, #tpu.memory_space<vmem>> -> memref<64xi32, #tpu.memory_space<vmem>>
    %dma_wait3A_218 = arith.constant 0 : i32
    %dma_wait3A_219 = arith.constant 0 : i32
    %dma_wait3A_220 = tpu.memref_slice %arg7[%dma_wait3A_218, %dma_wait3A_219] : memref<75x128xf32, #tpu.memory_space<vmem_shared>> -> memref<75x128xf32, #tpu.memory_space<vmem_shared>>
    %dma_wait3A_221 = tpu.memref_slice %arg8[%dma_wait3A_211] : memref<8x!tpu.dma_semaphore, #tpu.memory_space<semaphore_mem>> -> memref<1x!tpu.dma_semaphore, #tpu.memory_space<semaphore_mem>>
    %dma_wait3A_222 = tpu.memref_squeeze %dma_wait3A_221 : memref<1x!tpu.dma_semaphore, #tpu.memory_space<semaphore_mem>> -> memref<!tpu.dma_semaphore, #tpu.memory_space<semaphore_mem>>
    tpu.wait_indirect_dma semaphore(%dma_wait3A_222 : memref<!tpu.dma_semaphore, #tpu.memory_space<semaphore_mem>>) src(%dma_wait3A_220 : memref<75x128xf32, #tpu.memory_space<vmem_shared>>) dst(%dma_wait3A_215 : memref<64x128xf32, #tpu.memory_space<vmem>>)
    %add3A_223 = arith.constant 192 : i32
    %add3A_224 = arith.addi %mul3A_2, %add3A_223 : i32
    %dma_start3A_225 = arith.constant 3 : i32
    %dma_start3A_226 = arith.constant 0 : i32
    %dma_start3A_227 = arith.constant 0 : i32
    %dma_start3A_228 = tpu.memref_slice %arg6[%dma_start3A_225, %dma_start3A_226, %dma_start3A_227] : memref<8x64x128xf32, #tpu.memory_space<vmem>> -> memref<1x64x128xf32, #tpu.memory_space<vmem>>
    %dma_start3A_229 = tpu.memref_squeeze %dma_start3A_228 : memref<1x64x128xf32, #tpu.memory_space<vmem>> -> memref<64x128xf32, #tpu.memory_space<vmem>>
    %dma_start3A_230 = arith.constant 0 : i32
    %dma_start3A_231 = tpu.memref_slice %arg4[%add3A_224, %dma_start3A_230] : memref<16384x128xf32, #tpu.memory_space<hbm>> -> memref<64x128xf32, #tpu.memory_space<hbm>>
    %dma_start3A_232 = arith.constant 0 : i32
    %dma_start3A_233 = tpu.memref_slice %arg4[%add3A_224, %dma_start3A_232] : memref<16384x128xf32, #tpu.memory_space<hbm>> -> memref<64x128xf32, #tpu.memory_space<hbm>>
    %dma_start3A_234 = arith.constant 0 : i32
    %dma_start3A_235 = arith.constant 0 : i32
    %dma_start3A_236 = tpu.memref_slice %arg6[%dma_start3A_225, %dma_start3A_234, %dma_start3A_235] : memref<8x64x128xf32, #tpu.memory_space<vmem>> -> memref<1x64x128xf32, #tpu.memory_space<vmem>>
    %dma_start3A_237 = tpu.memref_squeeze %dma_start3A_236 : memref<1x64x128xf32, #tpu.memory_space<vmem>> -> memref<64x128xf32, #tpu.memory_space<vmem>>
    tpu.enqueue_dma source(%dma_start3A_237 : memref<64x128xf32, #tpu.memory_space<vmem>>) target(%dma_start3A_233 : memref<64x128xf32, #tpu.memory_space<hbm>>) target_semaphore(%arg10 : memref<!tpu.dma_semaphore, #tpu.memory_space<semaphore_mem>>)
    %dma_wait3A_238 = arith.constant 4 : i32
    %dma_wait3A_239 = arith.constant 4 : i32
    %dma_wait3A_240 = arith.constant 0 : i32
    %dma_wait3A_241 = arith.constant 0 : i32
    %dma_wait3A_242 = tpu.memref_slice %arg6[%dma_wait3A_238, %dma_wait3A_240, %dma_wait3A_241] : memref<8x64x128xf32, #tpu.memory_space<vmem>> -> memref<1x64x128xf32, #tpu.memory_space<vmem>>
    %dma_wait3A_243 = tpu.memref_squeeze %dma_wait3A_242 : memref<1x64x128xf32, #tpu.memory_space<vmem>> -> memref<64x128xf32, #tpu.memory_space<vmem>>
    %dma_wait3A_244 = arith.constant 256 : i32
    %dma_wait3A_245 = tpu.memref_slice %arg5[%dma_wait3A_244] : memref<512xi32, #tpu.memory_space<vmem>> -> memref<64xi32, #tpu.memory_space<vmem>>
    %dma_wait3A_246 = arith.constant 0 : i32
    %dma_wait3A_247 = arith.constant 0 : i32
    %dma_wait3A_248 = tpu.memref_slice %arg7[%dma_wait3A_246, %dma_wait3A_247] : memref<75x128xf32, #tpu.memory_space<vmem_shared>> -> memref<75x128xf32, #tpu.memory_space<vmem_shared>>
    %dma_wait3A_249 = tpu.memref_slice %arg8[%dma_wait3A_239] : memref<8x!tpu.dma_semaphore, #tpu.memory_space<semaphore_mem>> -> memref<1x!tpu.dma_semaphore, #tpu.memory_space<semaphore_mem>>
    %dma_wait3A_250 = tpu.memref_squeeze %dma_wait3A_249 : memref<1x!tpu.dma_semaphore, #tpu.memory_space<semaphore_mem>> -> memref<!tpu.dma_semaphore, #tpu.memory_space<semaphore_mem>>
    tpu.wait_indirect_dma semaphore(%dma_wait3A_250 : memref<!tpu.dma_semaphore, #tpu.memory_space<semaphore_mem>>) src(%dma_wait3A_248 : memref<75x128xf32, #tpu.memory_space<vmem_shared>>) dst(%dma_wait3A_243 : memref<64x128xf32, #tpu.memory_space<vmem>>)
    %add3A_251 = arith.constant 256 : i32
    %add3A_252 = arith.addi %mul3A_2, %add3A_251 : i32
    %dma_start3A_253 = arith.constant 4 : i32
    %dma_start3A_254 = arith.constant 0 : i32
    %dma_start3A_255 = arith.constant 0 : i32
    %dma_start3A_256 = tpu.memref_slice %arg6[%dma_start3A_253, %dma_start3A_254, %dma_start3A_255] : memref<8x64x128xf32, #tpu.memory_space<vmem>> -> memref<1x64x128xf32, #tpu.memory_space<vmem>>
    %dma_start3A_257 = tpu.memref_squeeze %dma_start3A_256 : memref<1x64x128xf32, #tpu.memory_space<vmem>> -> memref<64x128xf32, #tpu.memory_space<vmem>>
    %dma_start3A_258 = arith.constant 0 : i32
    %dma_start3A_259 = tpu.memref_slice %arg4[%add3A_252, %dma_start3A_258] : memref<16384x128xf32, #tpu.memory_space<hbm>> -> memref<64x128xf32, #tpu.memory_space<hbm>>
    %dma_start3A_260 = arith.constant 0 : i32
    %dma_start3A_261 = tpu.memref_slice %arg4[%add3A_252, %dma_start3A_260] : memref<16384x128xf32, #tpu.memory_space<hbm>> -> memref<64x128xf32, #tpu.memory_space<hbm>>
    %dma_start3A_262 = arith.constant 0 : i32
    %dma_start3A_263 = arith.constant 0 : i32
    %dma_start3A_264 = tpu.memref_slice %arg6[%dma_start3A_253, %dma_start3A_262, %dma_start3A_263] : memref<8x64x128xf32, #tpu.memory_space<vmem>> -> memref<1x64x128xf32, #tpu.memory_space<vmem>>
    %dma_start3A_265 = tpu.memref_squeeze %dma_start3A_264 : memref<1x64x128xf32, #tpu.memory_space<vmem>> -> memref<64x128xf32, #tpu.memory_space<vmem>>
    tpu.enqueue_dma source(%dma_start3A_265 : memref<64x128xf32, #tpu.memory_space<vmem>>) target(%dma_start3A_261 : memref<64x128xf32, #tpu.memory_space<hbm>>) target_semaphore(%arg10 : memref<!tpu.dma_semaphore, #tpu.memory_space<semaphore_mem>>)
    %dma_wait3A_266 = arith.constant 5 : i32
    %dma_wait3A_267 = arith.constant 5 : i32
    %dma_wait3A_268 = arith.constant 0 : i32
    %dma_wait3A_269 = arith.constant 0 : i32
    %dma_wait3A_270 = tpu.memref_slice %arg6[%dma_wait3A_266, %dma_wait3A_268, %dma_wait3A_269] : memref<8x64x128xf32, #tpu.memory_space<vmem>> -> memref<1x64x128xf32, #tpu.memory_space<vmem>>
    %dma_wait3A_271 = tpu.memref_squeeze %dma_wait3A_270 : memref<1x64x128xf32, #tpu.memory_space<vmem>> -> memref<64x128xf32, #tpu.memory_space<vmem>>
    %dma_wait3A_272 = arith.constant 320 : i32
    %dma_wait3A_273 = tpu.memref_slice %arg5[%dma_wait3A_272] : memref<512xi32, #tpu.memory_space<vmem>> -> memref<64xi32, #tpu.memory_space<vmem>>
    %dma_wait3A_274 = arith.constant 0 : i32
    %dma_wait3A_275 = arith.constant 0 : i32
    %dma_wait3A_276 = tpu.memref_slice %arg7[%dma_wait3A_274, %dma_wait3A_275] : memref<75x128xf32, #tpu.memory_space<vmem_shared>> -> memref<75x128xf32, #tpu.memory_space<vmem_shared>>
    %dma_wait3A_277 = tpu.memref_slice %arg8[%dma_wait3A_267] : memref<8x!tpu.dma_semaphore, #tpu.memory_space<semaphore_mem>> -> memref<1x!tpu.dma_semaphore, #tpu.memory_space<semaphore_mem>>
    %dma_wait3A_278 = tpu.memref_squeeze %dma_wait3A_277 : memref<1x!tpu.dma_semaphore, #tpu.memory_space<semaphore_mem>> -> memref<!tpu.dma_semaphore, #tpu.memory_space<semaphore_mem>>
    tpu.wait_indirect_dma semaphore(%dma_wait3A_278 : memref<!tpu.dma_semaphore, #tpu.memory_space<semaphore_mem>>) src(%dma_wait3A_276 : memref<75x128xf32, #tpu.memory_space<vmem_shared>>) dst(%dma_wait3A_271 : memref<64x128xf32, #tpu.memory_space<vmem>>)
    %add3A_279 = arith.constant 320 : i32
    %add3A_280 = arith.addi %mul3A_2, %add3A_279 : i32
    %dma_start3A_281 = arith.constant 5 : i32
    %dma_start3A_282 = arith.constant 0 : i32
    %dma_start3A_283 = arith.constant 0 : i32
    %dma_start3A_284 = tpu.memref_slice %arg6[%dma_start3A_281, %dma_start3A_282, %dma_start3A_283] : memref<8x64x128xf32, #tpu.memory_space<vmem>> -> memref<1x64x128xf32, #tpu.memory_space<vmem>>
    %dma_start3A_285 = tpu.memref_squeeze %dma_start3A_284 : memref<1x64x128xf32, #tpu.memory_space<vmem>> -> memref<64x128xf32, #tpu.memory_space<vmem>>
    %dma_start3A_286 = arith.constant 0 : i32
    %dma_start3A_287 = tpu.memref_slice %arg4[%add3A_280, %dma_start3A_286] : memref<16384x128xf32, #tpu.memory_space<hbm>> -> memref<64x128xf32, #tpu.memory_space<hbm>>
    %dma_start3A_288 = arith.constant 0 : i32
    %dma_start3A_289 = tpu.memref_slice %arg4[%add3A_280, %dma_start3A_288] : memref<16384x128xf32, #tpu.memory_space<hbm>> -> memref<64x128xf32, #tpu.memory_space<hbm>>
    %dma_start3A_290 = arith.constant 0 : i32
    %dma_start3A_291 = arith.constant 0 : i32
    %dma_start3A_292 = tpu.memref_slice %arg6[%dma_start3A_281, %dma_start3A_290, %dma_start3A_291] : memref<8x64x128xf32, #tpu.memory_space<vmem>> -> memref<1x64x128xf32, #tpu.memory_space<vmem>>
    %dma_start3A_293 = tpu.memref_squeeze %dma_start3A_292 : memref<1x64x128xf32, #tpu.memory_space<vmem>> -> memref<64x128xf32, #tpu.memory_space<vmem>>
    tpu.enqueue_dma source(%dma_start3A_293 : memref<64x128xf32, #tpu.memory_space<vmem>>) target(%dma_start3A_289 : memref<64x128xf32, #tpu.memory_space<hbm>>) target_semaphore(%arg10 : memref<!tpu.dma_semaphore, #tpu.memory_space<semaphore_mem>>)
    %dma_wait3A_294 = arith.constant 6 : i32
    %dma_wait3A_295 = arith.constant 6 : i32
    %dma_wait3A_296 = arith.constant 0 : i32
    %dma_wait3A_297 = arith.constant 0 : i32
    %dma_wait3A_298 = tpu.memref_slice %arg6[%dma_wait3A_294, %dma_wait3A_296, %dma_wait3A_297] : memref<8x64x128xf32, #tpu.memory_space<vmem>> -> memref<1x64x128xf32, #tpu.memory_space<vmem>>
    %dma_wait3A_299 = tpu.memref_squeeze %dma_wait3A_298 : memref<1x64x128xf32, #tpu.memory_space<vmem>> -> memref<64x128xf32, #tpu.memory_space<vmem>>
    %dma_wait3A_300 = arith.constant 384 : i32
    %dma_wait3A_301 = tpu.memref_slice %arg5[%dma_wait3A_300] : memref<512xi32, #tpu.memory_space<vmem>> -> memref<64xi32, #tpu.memory_space<vmem>>
    %dma_wait3A_302 = arith.constant 0 : i32
    %dma_wait3A_303 = arith.constant 0 : i32
    %dma_wait3A_304 = tpu.memref_slice %arg7[%dma_wait3A_302, %dma_wait3A_303] : memref<75x128xf32, #tpu.memory_space<vmem_shared>> -> memref<75x128xf32, #tpu.memory_space<vmem_shared>>
    %dma_wait3A_305 = tpu.memref_slice %arg8[%dma_wait3A_295] : memref<8x!tpu.dma_semaphore, #tpu.memory_space<semaphore_mem>> -> memref<1x!tpu.dma_semaphore, #tpu.memory_space<semaphore_mem>>
    %dma_wait3A_306 = tpu.memref_squeeze %dma_wait3A_305 : memref<1x!tpu.dma_semaphore, #tpu.memory_space<semaphore_mem>> -> memref<!tpu.dma_semaphore, #tpu.memory_space<semaphore_mem>>
    tpu.wait_indirect_dma semaphore(%dma_wait3A_306 : memref<!tpu.dma_semaphore, #tpu.memory_space<semaphore_mem>>) src(%dma_wait3A_304 : memref<75x128xf32, #tpu.memory_space<vmem_shared>>) dst(%dma_wait3A_299 : memref<64x128xf32, #tpu.memory_space<vmem>>)
    %add3A_307 = arith.constant 384 : i32
    %add3A_308 = arith.addi %mul3A_2, %add3A_307 : i32
    %dma_start3A_309 = arith.constant 6 : i32
    %dma_start3A_310 = arith.constant 0 : i32
    %dma_start3A_311 = arith.constant 0 : i32
    %dma_start3A_312 = tpu.memref_slice %arg6[%dma_start3A_309, %dma_start3A_310, %dma_start3A_311] : memref<8x64x128xf32, #tpu.memory_space<vmem>> -> memref<1x64x128xf32, #tpu.memory_space<vmem>>
    %dma_start3A_313 = tpu.memref_squeeze %dma_start3A_312 : memref<1x64x128xf32, #tpu.memory_space<vmem>> -> memref<64x128xf32, #tpu.memory_space<vmem>>
    %dma_start3A_314 = arith.constant 0 : i32
    %dma_start3A_315 = tpu.memref_slice %arg4[%add3A_308, %dma_start3A_314] : memref<16384x128xf32, #tpu.memory_space<hbm>> -> memref<64x128xf32, #tpu.memory_space<hbm>>
    %dma_start3A_316 = arith.constant 0 : i32
    %dma_start3A_317 = tpu.memref_slice %arg4[%add3A_308, %dma_start3A_316] : memref<16384x128xf32, #tpu.memory_space<hbm>> -> memref<64x128xf32, #tpu.memory_space<hbm>>
    %dma_start3A_318 = arith.constant 0 : i32
    %dma_start3A_319 = arith.constant 0 : i32
    %dma_start3A_320 = tpu.memref_slice %arg6[%dma_start3A_309, %dma_start3A_318, %dma_start3A_319] : memref<8x64x128xf32, #tpu.memory_space<vmem>> -> memref<1x64x128xf32, #tpu.memory_space<vmem>>
    %dma_start3A_321 = tpu.memref_squeeze %dma_start3A_320 : memref<1x64x128xf32, #tpu.memory_space<vmem>> -> memref<64x128xf32, #tpu.memory_space<vmem>>
    tpu.enqueue_dma source(%dma_start3A_321 : memref<64x128xf32, #tpu.memory_space<vmem>>) target(%dma_start3A_317 : memref<64x128xf32, #tpu.memory_space<hbm>>) target_semaphore(%arg10 : memref<!tpu.dma_semaphore, #tpu.memory_space<semaphore_mem>>)
    %dma_wait3A_322 = arith.constant 7 : i32
    %dma_wait3A_323 = arith.constant 7 : i32
    %dma_wait3A_324 = arith.constant 0 : i32
    %dma_wait3A_325 = arith.constant 0 : i32
    %dma_wait3A_326 = tpu.memref_slice %arg6[%dma_wait3A_322, %dma_wait3A_324, %dma_wait3A_325] : memref<8x64x128xf32, #tpu.memory_space<vmem>> -> memref<1x64x128xf32, #tpu.memory_space<vmem>>
    %dma_wait3A_327 = tpu.memref_squeeze %dma_wait3A_326 : memref<1x64x128xf32, #tpu.memory_space<vmem>> -> memref<64x128xf32, #tpu.memory_space<vmem>>
    %dma_wait3A_328 = arith.constant 448 : i32
    %dma_wait3A_329 = tpu.memref_slice %arg5[%dma_wait3A_328] : memref<512xi32, #tpu.memory_space<vmem>> -> memref<64xi32, #tpu.memory_space<vmem>>
    %dma_wait3A_330 = arith.constant 0 : i32
    %dma_wait3A_331 = arith.constant 0 : i32
    %dma_wait3A_332 = tpu.memref_slice %arg7[%dma_wait3A_330, %dma_wait3A_331] : memref<75x128xf32, #tpu.memory_space<vmem_shared>> -> memref<75x128xf32, #tpu.memory_space<vmem_shared>>
    %dma_wait3A_333 = tpu.memref_slice %arg8[%dma_wait3A_323] : memref<8x!tpu.dma_semaphore, #tpu.memory_space<semaphore_mem>> -> memref<1x!tpu.dma_semaphore, #tpu.memory_space<semaphore_mem>>
    %dma_wait3A_334 = tpu.memref_squeeze %dma_wait3A_333 : memref<1x!tpu.dma_semaphore, #tpu.memory_space<semaphore_mem>> -> memref<!tpu.dma_semaphore, #tpu.memory_space<semaphore_mem>>
    tpu.wait_indirect_dma semaphore(%dma_wait3A_334 : memref<!tpu.dma_semaphore, #tpu.memory_space<semaphore_mem>>) src(%dma_wait3A_332 : memref<75x128xf32, #tpu.memory_space<vmem_shared>>) dst(%dma_wait3A_327 : memref<64x128xf32, #tpu.memory_space<vmem>>)
    %add3A_335 = arith.constant 448 : i32
    %add3A_336 = arith.addi %mul3A_2, %add3A_335 : i32
    %dma_start3A_337 = arith.constant 7 : i32
    %dma_start3A_338 = arith.constant 0 : i32
    %dma_start3A_339 = arith.constant 0 : i32
    %dma_start3A_340 = tpu.memref_slice %arg6[%dma_start3A_337, %dma_start3A_338, %dma_start3A_339] : memref<8x64x128xf32, #tpu.memory_space<vmem>> -> memref<1x64x128xf32, #tpu.memory_space<vmem>>
    %dma_start3A_341 = tpu.memref_squeeze %dma_start3A_340 : memref<1x64x128xf32, #tpu.memory_space<vmem>> -> memref<64x128xf32, #tpu.memory_space<vmem>>
    %dma_start3A_342 = arith.constant 0 : i32
    %dma_start3A_343 = tpu.memref_slice %arg4[%add3A_336, %dma_start3A_342] : memref<16384x128xf32, #tpu.memory_space<hbm>> -> memref<64x128xf32, #tpu.memory_space<hbm>>
    %dma_start3A_344 = arith.constant 0 : i32
    %dma_start3A_345 = tpu.memref_slice %arg4[%add3A_336, %dma_start3A_344] : memref<16384x128xf32, #tpu.memory_space<hbm>> -> memref<64x128xf32, #tpu.memory_space<hbm>>
    %dma_start3A_346 = arith.constant 0 : i32
    %dma_start3A_347 = arith.constant 0 : i32
    %dma_start3A_348 = tpu.memref_slice %arg6[%dma_start3A_337, %dma_start3A_346, %dma_start3A_347] : memref<8x64x128xf32, #tpu.memory_space<vmem>> -> memref<1x64x128xf32, #tpu.memory_space<vmem>>
    %dma_start3A_349 = tpu.memref_squeeze %dma_start3A_348 : memref<1x64x128xf32, #tpu.memory_space<vmem>> -> memref<64x128xf32, #tpu.memory_space<vmem>>
    tpu.enqueue_dma source(%dma_start3A_349 : memref<64x128xf32, #tpu.memory_space<vmem>>) target(%dma_start3A_345 : memref<64x128xf32, #tpu.memory_space<hbm>>) target_semaphore(%arg10 : memref<!tpu.dma_semaphore, #tpu.memory_space<semaphore_mem>>)
    %dma_wait3A_350 = arith.constant 0 : i32
    %dma_wait3A_351 = arith.constant 0 : i32
    %dma_wait3A_352 = arith.constant 0 : i32
    %dma_wait3A_353 = tpu.memref_slice %arg6[%dma_wait3A_350, %dma_wait3A_351, %dma_wait3A_352] : memref<8x64x128xf32, #tpu.memory_space<vmem>> -> memref<1x64x128xf32, #tpu.memory_space<vmem>>
    %dma_wait3A_354 = tpu.memref_squeeze %dma_wait3A_353 : memref<1x64x128xf32, #tpu.memory_space<vmem>> -> memref<64x128xf32, #tpu.memory_space<vmem>>
    %dma_wait3A_355 = arith.constant 0 : i32
    %dma_wait3A_356 = tpu.memref_slice %arg4[%add3A_140, %dma_wait3A_355] : memref<16384x128xf32, #tpu.memory_space<hbm>> -> memref<64x128xf32, #tpu.memory_space<hbm>>
    %dma_wait3A_357 = arith.constant 0 : i32
    %dma_wait3A_358 = tpu.memref_slice %arg4[%add3A_140, %dma_wait3A_357] : memref<16384x128xf32, #tpu.memory_space<hbm>> -> memref<64x128xf32, #tpu.memory_space<hbm>>
    %dma_wait3A_359 = arith.constant 0 : i32
    %dma_wait3A_360 = arith.constant 0 : i32
    %dma_wait3A_361 = tpu.memref_slice %arg6[%dma_wait3A_350, %dma_wait3A_359, %dma_wait3A_360] : memref<8x64x128xf32, #tpu.memory_space<vmem>> -> memref<1x64x128xf32, #tpu.memory_space<vmem>>
    %dma_wait3A_362 = tpu.memref_squeeze %dma_wait3A_361 : memref<1x64x128xf32, #tpu.memory_space<vmem>> -> memref<64x128xf32, #tpu.memory_space<vmem>>
    tpu.wait_dma2 semaphore(%arg10 : memref<!tpu.dma_semaphore, #tpu.memory_space<semaphore_mem>>) src(%dma_wait3A_362 : memref<64x128xf32, #tpu.memory_space<vmem>>) dst(%dma_wait3A_358 : memref<64x128xf32, #tpu.memory_space<hbm>>)
    %dma_wait3A_363 = arith.constant 1 : i32
    %dma_wait3A_364 = arith.constant 0 : i32
    %dma_wait3A_365 = arith.constant 0 : i32
    %dma_wait3A_366 = tpu.memref_slice %arg6[%dma_wait3A_363, %dma_wait3A_364, %dma_wait3A_365] : memref<8x64x128xf32, #tpu.memory_space<vmem>> -> memref<1x64x128xf32, #tpu.memory_space<vmem>>
    %dma_wait3A_367 = tpu.memref_squeeze %dma_wait3A_366 : memref<1x64x128xf32, #tpu.memory_space<vmem>> -> memref<64x128xf32, #tpu.memory_space<vmem>>
    %dma_wait3A_368 = arith.constant 0 : i32
    %dma_wait3A_369 = tpu.memref_slice %arg4[%add3A_168, %dma_wait3A_368] : memref<16384x128xf32, #tpu.memory_space<hbm>> -> memref<64x128xf32, #tpu.memory_space<hbm>>
    %dma_wait3A_370 = arith.constant 0 : i32
    %dma_wait3A_371 = tpu.memref_slice %arg4[%add3A_168, %dma_wait3A_370] : memref<16384x128xf32, #tpu.memory_space<hbm>> -> memref<64x128xf32, #tpu.memory_space<hbm>>
    %dma_wait3A_372 = arith.constant 0 : i32
    %dma_wait3A_373 = arith.constant 0 : i32
    %dma_wait3A_374 = tpu.memref_slice %arg6[%dma_wait3A_363, %dma_wait3A_372, %dma_wait3A_373] : memref<8x64x128xf32, #tpu.memory_space<vmem>> -> memref<1x64x128xf32, #tpu.memory_space<vmem>>
    %dma_wait3A_375 = tpu.memref_squeeze %dma_wait3A_374 : memref<1x64x128xf32, #tpu.memory_space<vmem>> -> memref<64x128xf32, #tpu.memory_space<vmem>>
    tpu.wait_dma2 semaphore(%arg10 : memref<!tpu.dma_semaphore, #tpu.memory_space<semaphore_mem>>) src(%dma_wait3A_375 : memref<64x128xf32, #tpu.memory_space<vmem>>) dst(%dma_wait3A_371 : memref<64x128xf32, #tpu.memory_space<hbm>>)
    %dma_wait3A_376 = arith.constant 2 : i32
    %dma_wait3A_377 = arith.constant 0 : i32
    %dma_wait3A_378 = arith.constant 0 : i32
    %dma_wait3A_379 = tpu.memref_slice %arg6[%dma_wait3A_376, %dma_wait3A_377, %dma_wait3A_378] : memref<8x64x128xf32, #tpu.memory_space<vmem>> -> memref<1x64x128xf32, #tpu.memory_space<vmem>>
    %dma_wait3A_380 = tpu.memref_squeeze %dma_wait3A_379 : memref<1x64x128xf32, #tpu.memory_space<vmem>> -> memref<64x128xf32, #tpu.memory_space<vmem>>
    %dma_wait3A_381 = arith.constant 0 : i32
    %dma_wait3A_382 = tpu.memref_slice %arg4[%add3A_196, %dma_wait3A_381] : memref<16384x128xf32, #tpu.memory_space<hbm>> -> memref<64x128xf32, #tpu.memory_space<hbm>>
    %dma_wait3A_383 = arith.constant 0 : i32
    %dma_wait3A_384 = tpu.memref_slice %arg4[%add3A_196, %dma_wait3A_383] : memref<16384x128xf32, #tpu.memory_space<hbm>> -> memref<64x128xf32, #tpu.memory_space<hbm>>
    %dma_wait3A_385 = arith.constant 0 : i32
    %dma_wait3A_386 = arith.constant 0 : i32
    %dma_wait3A_387 = tpu.memref_slice %arg6[%dma_wait3A_376, %dma_wait3A_385, %dma_wait3A_386] : memref<8x64x128xf32, #tpu.memory_space<vmem>> -> memref<1x64x128xf32, #tpu.memory_space<vmem>>
    %dma_wait3A_388 = tpu.memref_squeeze %dma_wait3A_387 : memref<1x64x128xf32, #tpu.memory_space<vmem>> -> memref<64x128xf32, #tpu.memory_space<vmem>>
    tpu.wait_dma2 semaphore(%arg10 : memref<!tpu.dma_semaphore, #tpu.memory_space<semaphore_mem>>) src(%dma_wait3A_388 : memref<64x128xf32, #tpu.memory_space<vmem>>) dst(%dma_wait3A_384 : memref<64x128xf32, #tpu.memory_space<hbm>>)
    %dma_wait3A_389 = arith.constant 3 : i32
    %dma_wait3A_390 = arith.constant 0 : i32
    %dma_wait3A_391 = arith.constant 0 : i32
    %dma_wait3A_392 = tpu.memref_slice %arg6[%dma_wait3A_389, %dma_wait3A_390, %dma_wait3A_391] : memref<8x64x128xf32, #tpu.memory_space<vmem>> -> memref<1x64x128xf32, #tpu.memory_space<vmem>>
    %dma_wait3A_393 = tpu.memref_squeeze %dma_wait3A_392 : memref<1x64x128xf32, #tpu.memory_space<vmem>> -> memref<64x128xf32, #tpu.memory_space<vmem>>
    %dma_wait3A_394 = arith.constant 0 : i32
    %dma_wait3A_395 = tpu.memref_slice %arg4[%add3A_224, %dma_wait3A_394] : memref<16384x128xf32, #tpu.memory_space<hbm>> -> memref<64x128xf32, #tpu.memory_space<hbm>>
    %dma_wait3A_396 = arith.constant 0 : i32
    %dma_wait3A_397 = tpu.memref_slice %arg4[%add3A_224, %dma_wait3A_396] : memref<16384x128xf32, #tpu.memory_space<hbm>> -> memref<64x128xf32, #tpu.memory_space<hbm>>
    %dma_wait3A_398 = arith.constant 0 : i32
    %dma_wait3A_399 = arith.constant 0 : i32
    %dma_wait3A_400 = tpu.memref_slice %arg6[%dma_wait3A_389, %dma_wait3A_398, %dma_wait3A_399] : memref<8x64x128xf32, #tpu.memory_space<vmem>> -> memref<1x64x128xf32, #tpu.memory_space<vmem>>
    %dma_wait3A_401 = tpu.memref_squeeze %dma_wait3A_400 : memref<1x64x128xf32, #tpu.memory_space<vmem>> -> memref<64x128xf32, #tpu.memory_space<vmem>>
    tpu.wait_dma2 semaphore(%arg10 : memref<!tpu.dma_semaphore, #tpu.memory_space<semaphore_mem>>) src(%dma_wait3A_401 : memref<64x128xf32, #tpu.memory_space<vmem>>) dst(%dma_wait3A_397 : memref<64x128xf32, #tpu.memory_space<hbm>>)
    %dma_wait3A_402 = arith.constant 4 : i32
    %dma_wait3A_403 = arith.constant 0 : i32
    %dma_wait3A_404 = arith.constant 0 : i32
    %dma_wait3A_405 = tpu.memref_slice %arg6[%dma_wait3A_402, %dma_wait3A_403, %dma_wait3A_404] : memref<8x64x128xf32, #tpu.memory_space<vmem>> -> memref<1x64x128xf32, #tpu.memory_space<vmem>>
    %dma_wait3A_406 = tpu.memref_squeeze %dma_wait3A_405 : memref<1x64x128xf32, #tpu.memory_space<vmem>> -> memref<64x128xf32, #tpu.memory_space<vmem>>
    %dma_wait3A_407 = arith.constant 0 : i32
    %dma_wait3A_408 = tpu.memref_slice %arg4[%add3A_252, %dma_wait3A_407] : memref<16384x128xf32, #tpu.memory_space<hbm>> -> memref<64x128xf32, #tpu.memory_space<hbm>>
    %dma_wait3A_409 = arith.constant 0 : i32
    %dma_wait3A_410 = tpu.memref_slice %arg4[%add3A_252, %dma_wait3A_409] : memref<16384x128xf32, #tpu.memory_space<hbm>> -> memref<64x128xf32, #tpu.memory_space<hbm>>
    %dma_wait3A_411 = arith.constant 0 : i32
    %dma_wait3A_412 = arith.constant 0 : i32
    %dma_wait3A_413 = tpu.memref_slice %arg6[%dma_wait3A_402, %dma_wait3A_411, %dma_wait3A_412] : memref<8x64x128xf32, #tpu.memory_space<vmem>> -> memref<1x64x128xf32, #tpu.memory_space<vmem>>
    %dma_wait3A_414 = tpu.memref_squeeze %dma_wait3A_413 : memref<1x64x128xf32, #tpu.memory_space<vmem>> -> memref<64x128xf32, #tpu.memory_space<vmem>>
    tpu.wait_dma2 semaphore(%arg10 : memref<!tpu.dma_semaphore, #tpu.memory_space<semaphore_mem>>) src(%dma_wait3A_414 : memref<64x128xf32, #tpu.memory_space<vmem>>) dst(%dma_wait3A_410 : memref<64x128xf32, #tpu.memory_space<hbm>>)
    %dma_wait3A_415 = arith.constant 5 : i32
    %dma_wait3A_416 = arith.constant 0 : i32
    %dma_wait3A_417 = arith.constant 0 : i32
    %dma_wait3A_418 = tpu.memref_slice %arg6[%dma_wait3A_415, %dma_wait3A_416, %dma_wait3A_417] : memref<8x64x128xf32, #tpu.memory_space<vmem>> -> memref<1x64x128xf32, #tpu.memory_space<vmem>>
    %dma_wait3A_419 = tpu.memref_squeeze %dma_wait3A_418 : memref<1x64x128xf32, #tpu.memory_space<vmem>> -> memref<64x128xf32, #tpu.memory_space<vmem>>
    %dma_wait3A_420 = arith.constant 0 : i32
    %dma_wait3A_421 = tpu.memref_slice %arg4[%add3A_280, %dma_wait3A_420] : memref<16384x128xf32, #tpu.memory_space<hbm>> -> memref<64x128xf32, #tpu.memory_space<hbm>>
    %dma_wait3A_422 = arith.constant 0 : i32
    %dma_wait3A_423 = tpu.memref_slice %arg4[%add3A_280, %dma_wait3A_422] : memref<16384x128xf32, #tpu.memory_space<hbm>> -> memref<64x128xf32, #tpu.memory_space<hbm>>
    %dma_wait3A_424 = arith.constant 0 : i32
    %dma_wait3A_425 = arith.constant 0 : i32
    %dma_wait3A_426 = tpu.memref_slice %arg6[%dma_wait3A_415, %dma_wait3A_424, %dma_wait3A_425] : memref<8x64x128xf32, #tpu.memory_space<vmem>> -> memref<1x64x128xf32, #tpu.memory_space<vmem>>
    %dma_wait3A_427 = tpu.memref_squeeze %dma_wait3A_426 : memref<1x64x128xf32, #tpu.memory_space<vmem>> -> memref<64x128xf32, #tpu.memory_space<vmem>>
    tpu.wait_dma2 semaphore(%arg10 : memref<!tpu.dma_semaphore, #tpu.memory_space<semaphore_mem>>) src(%dma_wait3A_427 : memref<64x128xf32, #tpu.memory_space<vmem>>) dst(%dma_wait3A_423 : memref<64x128xf32, #tpu.memory_space<hbm>>)
    %dma_wait3A_428 = arith.constant 6 : i32
    %dma_wait3A_429 = arith.constant 0 : i32
    %dma_wait3A_430 = arith.constant 0 : i32
    %dma_wait3A_431 = tpu.memref_slice %arg6[%dma_wait3A_428, %dma_wait3A_429, %dma_wait3A_430] : memref<8x64x128xf32, #tpu.memory_space<vmem>> -> memref<1x64x128xf32, #tpu.memory_space<vmem>>
    %dma_wait3A_432 = tpu.memref_squeeze %dma_wait3A_431 : memref<1x64x128xf32, #tpu.memory_space<vmem>> -> memref<64x128xf32, #tpu.memory_space<vmem>>
    %dma_wait3A_433 = arith.constant 0 : i32
    %dma_wait3A_434 = tpu.memref_slice %arg4[%add3A_308, %dma_wait3A_433] : memref<16384x128xf32, #tpu.memory_space<hbm>> -> memref<64x128xf32, #tpu.memory_space<hbm>>
    %dma_wait3A_435 = arith.constant 0 : i32
    %dma_wait3A_436 = tpu.memref_slice %arg4[%add3A_308, %dma_wait3A_435] : memref<16384x128xf32, #tpu.memory_space<hbm>> -> memref<64x128xf32, #tpu.memory_space<hbm>>
    %dma_wait3A_437 = arith.constant 0 : i32
    %dma_wait3A_438 = arith.constant 0 : i32
    %dma_wait3A_439 = tpu.memref_slice %arg6[%dma_wait3A_428, %dma_wait3A_437, %dma_wait3A_438] : memref<8x64x128xf32, #tpu.memory_space<vmem>> -> memref<1x64x128xf32, #tpu.memory_space<vmem>>
    %dma_wait3A_440 = tpu.memref_squeeze %dma_wait3A_439 : memref<1x64x128xf32, #tpu.memory_space<vmem>> -> memref<64x128xf32, #tpu.memory_space<vmem>>
    tpu.wait_dma2 semaphore(%arg10 : memref<!tpu.dma_semaphore, #tpu.memory_space<semaphore_mem>>) src(%dma_wait3A_440 : memref<64x128xf32, #tpu.memory_space<vmem>>) dst(%dma_wait3A_436 : memref<64x128xf32, #tpu.memory_space<hbm>>)
    %dma_wait3A_441 = arith.constant 7 : i32
    %dma_wait3A_442 = arith.constant 0 : i32
    %dma_wait3A_443 = arith.constant 0 : i32
    %dma_wait3A_444 = tpu.memref_slice %arg6[%dma_wait3A_441, %dma_wait3A_442, %dma_wait3A_443] : memref<8x64x128xf32, #tpu.memory_space<vmem>> -> memref<1x64x128xf32, #tpu.memory_space<vmem>>
    %dma_wait3A_445 = tpu.memref_squeeze %dma_wait3A_444 : memref<1x64x128xf32, #tpu.memory_space<vmem>> -> memref<64x128xf32, #tpu.memory_space<vmem>>
    %dma_wait3A_446 = arith.constant 0 : i32
    %dma_wait3A_447 = tpu.memref_slice %arg4[%add3A_336, %dma_wait3A_446] : memref<16384x128xf32, #tpu.memory_space<hbm>> -> memref<64x128xf32, #tpu.memory_space<hbm>>
    %dma_wait3A_448 = arith.constant 0 : i32
    %dma_wait3A_449 = tpu.memref_slice %arg4[%add3A_336, %dma_wait3A_448] : memref<16384x128xf32, #tpu.memory_space<hbm>> -> memref<64x128xf32, #tpu.memory_space<hbm>>
    %dma_wait3A_450 = arith.constant 0 : i32
    %dma_wait3A_451 = arith.constant 0 : i32
    %dma_wait3A_452 = tpu.memref_slice %arg6[%dma_wait3A_441, %dma_wait3A_450, %dma_wait3A_451] : memref<8x64x128xf32, #tpu.memory_space<vmem>> -> memref<1x64x128xf32, #tpu.memory_space<vmem>>
    %dma_wait3A_453 = tpu.memref_squeeze %dma_wait3A_452 : memref<1x64x128xf32, #tpu.memory_space<vmem>> -> memref<64x128xf32, #tpu.memory_space<vmem>>
    tpu.wait_dma2 semaphore(%arg10 : memref<!tpu.dma_semaphore, #tpu.memory_space<semaphore_mem>>) src(%dma_wait3A_453 : memref<64x128xf32, #tpu.memory_space<vmem>>) dst(%dma_wait3A_449 : memref<64x128xf32, #tpu.memory_space<hbm>>)
    return
  }
}

module attributes {stable_mosaic.version = 14 : i64} {
  func.func @_prep_body(%arg0: memref<15x128xf32, #tpu.memory_space<vmem>>, %arg1: memref<5x128xf32, #tpu.memory_space<vmem>>, %arg2: memref<128x128xi32, #tpu.memory_space<vmem>>, %arg3: memref<128x128xi32, #tpu.memory_space<vmem>>, %arg4: memref<75x128xf32, #tpu.memory_space<vmem>>, %arg5: memref<128x128xi32, #tpu.memory_space<vmem>>) attributes {dimension_semantics = [], scalar_prefetch = 0 : i64, scratch_operands = 0 : i64, tpu.core_type = #tpu.core_type<tc>} {
    %get3A = arith.constant 0 : index
    %get3A_0 = arith.constant 0 : index
    %get3A_1 = vector.load %arg1[%get3A, %get3A_0] : memref<5x128xf32, #tpu.memory_space<vmem>>, vector<5x128xf32>
    %get3A_2 = arith.constant 0 : index
    %get3A_3 = arith.constant 0 : index
    %get3A_4 = vector.load %arg0[%get3A_2, %get3A_3] : memref<15x128xf32, #tpu.memory_space<vmem>>, vector<1x128xf32>
    %get3A_5 = vector.shape_cast %get3A_4 : vector<1x128xf32> to vector<128xf32>
    %broadcast_in_dim3A = vector.shape_cast %get3A_5 : vector<128xf32> to vector<1x128xf32>
    %add3A = vector.broadcast %broadcast_in_dim3A : vector<1x128xf32> to vector<5x128xf32>
    %add3A_6 = arith.addf %get3A_1, %add3A : vector<5x128xf32>
    %swap3A = arith.constant 0 : index
    %swap3A_7 = arith.constant 0 : index
    %swap3A_8 = vector.load %arg4[%swap3A, %swap3A_7] : memref<75x128xf32, #tpu.memory_space<vmem>>, vector<5x128xf32>
    tpu.vector_store %arg4[%swap3A, %swap3A_7], %add3A_6 {strides = array<i32>} : memref<75x128xf32, #tpu.memory_space<vmem>>, vector<5x128xf32>,
    %get3A_9 = arith.constant 0 : index
    %get3A_10 = arith.constant 0 : index
    %get3A_11 = vector.load %arg1[%get3A_9, %get3A_10] : memref<5x128xf32, #tpu.memory_space<vmem>>, vector<5x128xf32>
    %get3A_12 = arith.constant 1 : index
    %get3A_13 = arith.constant 0 : index
    %get3A_14 = vector.load %arg0[%get3A_12, %get3A_13] : memref<15x128xf32, #tpu.memory_space<vmem>>, vector<1x128xf32>
    %get3A_15 = vector.shape_cast %get3A_14 : vector<1x128xf32> to vector<128xf32>
    %broadcast_in_dim3A_16 = vector.shape_cast %get3A_15 : vector<128xf32> to vector<1x128xf32>
    %add3A_17 = vector.broadcast %broadcast_in_dim3A_16 : vector<1x128xf32> to vector<5x128xf32>
    %add3A_18 = arith.addf %get3A_11, %add3A_17 : vector<5x128xf32>
    %swap3A_19 = arith.constant 5 : index
    %swap3A_20 = arith.constant 0 : index
    %swap3A_21 = vector.load %arg4[%swap3A_19, %swap3A_20] : memref<75x128xf32, #tpu.memory_space<vmem>>, vector<5x128xf32>
    tpu.vector_store %arg4[%swap3A_19, %swap3A_20], %add3A_18 {strides = array<i32>} : memref<75x128xf32, #tpu.memory_space<vmem>>, vector<5x128xf32>,
    %get3A_22 = arith.constant 0 : index
    %get3A_23 = arith.constant 0 : index
    %get3A_24 = vector.load %arg1[%get3A_22, %get3A_23] : memref<5x128xf32, #tpu.memory_space<vmem>>, vector<5x128xf32>
    %get3A_25 = arith.constant 2 : index
    %get3A_26 = arith.constant 0 : index
    %get3A_27 = vector.load %arg0[%get3A_25, %get3A_26] : memref<15x128xf32, #tpu.memory_space<vmem>>, vector<1x128xf32>
    %get3A_28 = vector.shape_cast %get3A_27 : vector<1x128xf32> to vector<128xf32>
    %broadcast_in_dim3A_29 = vector.shape_cast %get3A_28 : vector<128xf32> to vector<1x128xf32>
    %add3A_30 = vector.broadcast %broadcast_in_dim3A_29 : vector<1x128xf32> to vector<5x128xf32>
    %add3A_31 = arith.addf %get3A_24, %add3A_30 : vector<5x128xf32>
    %swap3A_32 = arith.constant 10 : index
    %swap3A_33 = arith.constant 0 : index
    %swap3A_34 = vector.load %arg4[%swap3A_32, %swap3A_33] : memref<75x128xf32, #tpu.memory_space<vmem>>, vector<5x128xf32>
    tpu.vector_store %arg4[%swap3A_32, %swap3A_33], %add3A_31 {strides = array<i32>} : memref<75x128xf32, #tpu.memory_space<vmem>>, vector<5x128xf32>,
    %get3A_35 = arith.constant 0 : index
    %get3A_36 = arith.constant 0 : index
    %get3A_37 = vector.load %arg1[%get3A_35, %get3A_36] : memref<5x128xf32, #tpu.memory_space<vmem>>, vector<5x128xf32>
    %get3A_38 = arith.constant 3 : index
    %get3A_39 = arith.constant 0 : index
    %get3A_40 = vector.load %arg0[%get3A_38, %get3A_39] : memref<15x128xf32, #tpu.memory_space<vmem>>, vector<1x128xf32>
    %get3A_41 = vector.shape_cast %get3A_40 : vector<1x128xf32> to vector<128xf32>
    %broadcast_in_dim3A_42 = vector.shape_cast %get3A_41 : vector<128xf32> to vector<1x128xf32>
    %add3A_43 = vector.broadcast %broadcast_in_dim3A_42 : vector<1x128xf32> to vector<5x128xf32>
    %add3A_44 = arith.addf %get3A_37, %add3A_43 : vector<5x128xf32>
    %swap3A_45 = arith.constant 15 : index
    %swap3A_46 = arith.constant 0 : index
    %swap3A_47 = vector.load %arg4[%swap3A_45, %swap3A_46] : memref<75x128xf32, #tpu.memory_space<vmem>>, vector<5x128xf32>
    tpu.vector_store %arg4[%swap3A_45, %swap3A_46], %add3A_44 {strides = array<i32>} : memref<75x128xf32, #tpu.memory_space<vmem>>, vector<5x128xf32>,
    %get3A_48 = arith.constant 0 : index
    %get3A_49 = arith.constant 0 : index
    %get3A_50 = vector.load %arg1[%get3A_48, %get3A_49] : memref<5x128xf32, #tpu.memory_space<vmem>>, vector<5x128xf32>
    %get3A_51 = arith.constant 4 : index
    %get3A_52 = arith.constant 0 : index
    %get3A_53 = vector.load %arg0[%get3A_51, %get3A_52] : memref<15x128xf32, #tpu.memory_space<vmem>>, vector<1x128xf32>
    %get3A_54 = vector.shape_cast %get3A_53 : vector<1x128xf32> to vector<128xf32>
    %broadcast_in_dim3A_55 = vector.shape_cast %get3A_54 : vector<128xf32> to vector<1x128xf32>
    %add3A_56 = vector.broadcast %broadcast_in_dim3A_55 : vector<1x128xf32> to vector<5x128xf32>
    %add3A_57 = arith.addf %get3A_50, %add3A_56 : vector<5x128xf32>
    %swap3A_58 = arith.constant 20 : index
    %swap3A_59 = arith.constant 0 : index
    %swap3A_60 = vector.load %arg4[%swap3A_58, %swap3A_59] : memref<75x128xf32, #tpu.memory_space<vmem>>, vector<5x128xf32>
    tpu.vector_store %arg4[%swap3A_58, %swap3A_59], %add3A_57 {strides = array<i32>} : memref<75x128xf32, #tpu.memory_space<vmem>>, vector<5x128xf32>,
    %get3A_61 = arith.constant 0 : index
    %get3A_62 = arith.constant 0 : index
    %get3A_63 = vector.load %arg1[%get3A_61, %get3A_62] : memref<5x128xf32, #tpu.memory_space<vmem>>, vector<5x128xf32>
    %get3A_64 = arith.constant 5 : index
    %get3A_65 = arith.constant 0 : index
    %get3A_66 = vector.load %arg0[%get3A_64, %get3A_65] : memref<15x128xf32, #tpu.memory_space<vmem>>, vector<1x128xf32>
    %get3A_67 = vector.shape_cast %get3A_66 : vector<1x128xf32> to vector<128xf32>
    %broadcast_in_dim3A_68 = vector.shape_cast %get3A_67 : vector<128xf32> to vector<1x128xf32>
    %add3A_69 = vector.broadcast %broadcast_in_dim3A_68 : vector<1x128xf32> to vector<5x128xf32>
    %add3A_70 = arith.addf %get3A_63, %add3A_69 : vector<5x128xf32>
    %swap3A_71 = arith.constant 25 : index
    %swap3A_72 = arith.constant 0 : index
    %swap3A_73 = vector.load %arg4[%swap3A_71, %swap3A_72] : memref<75x128xf32, #tpu.memory_space<vmem>>, vector<5x128xf32>
    tpu.vector_store %arg4[%swap3A_71, %swap3A_72], %add3A_70 {strides = array<i32>} : memref<75x128xf32, #tpu.memory_space<vmem>>, vector<5x128xf32>,
    %get3A_74 = arith.constant 0 : index
    %get3A_75 = arith.constant 0 : index
    %get3A_76 = vector.load %arg1[%get3A_74, %get3A_75] : memref<5x128xf32, #tpu.memory_space<vmem>>, vector<5x128xf32>
    %get3A_77 = arith.constant 6 : index
    %get3A_78 = arith.constant 0 : index
    %get3A_79 = vector.load %arg0[%get3A_77, %get3A_78] : memref<15x128xf32, #tpu.memory_space<vmem>>, vector<1x128xf32>
    %get3A_80 = vector.shape_cast %get3A_79 : vector<1x128xf32> to vector<128xf32>
    %broadcast_in_dim3A_81 = vector.shape_cast %get3A_80 : vector<128xf32> to vector<1x128xf32>
    %add3A_82 = vector.broadcast %broadcast_in_dim3A_81 : vector<1x128xf32> to vector<5x128xf32>
    %add3A_83 = arith.addf %get3A_76, %add3A_82 : vector<5x128xf32>
    %swap3A_84 = arith.constant 30 : index
    %swap3A_85 = arith.constant 0 : index
    %swap3A_86 = vector.load %arg4[%swap3A_84, %swap3A_85] : memref<75x128xf32, #tpu.memory_space<vmem>>, vector<5x128xf32>
    tpu.vector_store %arg4[%swap3A_84, %swap3A_85], %add3A_83 {strides = array<i32>} : memref<75x128xf32, #tpu.memory_space<vmem>>, vector<5x128xf32>,
    %get3A_87 = arith.constant 0 : index
    %get3A_88 = arith.constant 0 : index
    %get3A_89 = vector.load %arg1[%get3A_87, %get3A_88] : memref<5x128xf32, #tpu.memory_space<vmem>>, vector<5x128xf32>
    %get3A_90 = arith.constant 7 : index
    %get3A_91 = arith.constant 0 : index
    %get3A_92 = vector.load %arg0[%get3A_90, %get3A_91] : memref<15x128xf32, #tpu.memory_space<vmem>>, vector<1x128xf32>
    %get3A_93 = vector.shape_cast %get3A_92 : vector<1x128xf32> to vector<128xf32>
    %broadcast_in_dim3A_94 = vector.shape_cast %get3A_93 : vector<128xf32> to vector<1x128xf32>
    %add3A_95 = vector.broadcast %broadcast_in_dim3A_94 : vector<1x128xf32> to vector<5x128xf32>
    %add3A_96 = arith.addf %get3A_89, %add3A_95 : vector<5x128xf32>
    %swap3A_97 = arith.constant 35 : index
    %swap3A_98 = arith.constant 0 : index
    %swap3A_99 = vector.load %arg4[%swap3A_97, %swap3A_98] : memref<75x128xf32, #tpu.memory_space<vmem>>, vector<5x128xf32>
    tpu.vector_store %arg4[%swap3A_97, %swap3A_98], %add3A_96 {strides = array<i32>} : memref<75x128xf32, #tpu.memory_space<vmem>>, vector<5x128xf32>,
    %get3A_100 = arith.constant 0 : index
    %get3A_101 = arith.constant 0 : index
    %get3A_102 = vector.load %arg1[%get3A_100, %get3A_101] : memref<5x128xf32, #tpu.memory_space<vmem>>, vector<5x128xf32>
    %get3A_103 = arith.constant 8 : index
    %get3A_104 = arith.constant 0 : index
    %get3A_105 = vector.load %arg0[%get3A_103, %get3A_104] : memref<15x128xf32, #tpu.memory_space<vmem>>, vector<1x128xf32>
    %get3A_106 = vector.shape_cast %get3A_105 : vector<1x128xf32> to vector<128xf32>
    %broadcast_in_dim3A_107 = vector.shape_cast %get3A_106 : vector<128xf32> to vector<1x128xf32>
    %add3A_108 = vector.broadcast %broadcast_in_dim3A_107 : vector<1x128xf32> to vector<5x128xf32>
    %add3A_109 = arith.addf %get3A_102, %add3A_108 : vector<5x128xf32>
    %swap3A_110 = arith.constant 40 : index
    %swap3A_111 = arith.constant 0 : index
    %swap3A_112 = vector.load %arg4[%swap3A_110, %swap3A_111] : memref<75x128xf32, #tpu.memory_space<vmem>>, vector<5x128xf32>
    tpu.vector_store %arg4[%swap3A_110, %swap3A_111], %add3A_109 {strides = array<i32>} : memref<75x128xf32, #tpu.memory_space<vmem>>, vector<5x128xf32>,
    %get3A_113 = arith.constant 0 : index
    %get3A_114 = arith.constant 0 : index
    %get3A_115 = vector.load %arg1[%get3A_113, %get3A_114] : memref<5x128xf32, #tpu.memory_space<vmem>>, vector<5x128xf32>
    %get3A_116 = arith.constant 9 : index
    %get3A_117 = arith.constant 0 : index
    %get3A_118 = vector.load %arg0[%get3A_116, %get3A_117] : memref<15x128xf32, #tpu.memory_space<vmem>>, vector<1x128xf32>
    %get3A_119 = vector.shape_cast %get3A_118 : vector<1x128xf32> to vector<128xf32>
    %broadcast_in_dim3A_120 = vector.shape_cast %get3A_119 : vector<128xf32> to vector<1x128xf32>
    %add3A_121 = vector.broadcast %broadcast_in_dim3A_120 : vector<1x128xf32> to vector<5x128xf32>
    %add3A_122 = arith.addf %get3A_115, %add3A_121 : vector<5x128xf32>
    %swap3A_123 = arith.constant 45 : index
    %swap3A_124 = arith.constant 0 : index
    %swap3A_125 = vector.load %arg4[%swap3A_123, %swap3A_124] : memref<75x128xf32, #tpu.memory_space<vmem>>, vector<5x128xf32>
    tpu.vector_store %arg4[%swap3A_123, %swap3A_124], %add3A_122 {strides = array<i32>} : memref<75x128xf32, #tpu.memory_space<vmem>>, vector<5x128xf32>,
    %get3A_126 = arith.constant 0 : index
    %get3A_127 = arith.constant 0 : index
    %get3A_128 = vector.load %arg1[%get3A_126, %get3A_127] : memref<5x128xf32, #tpu.memory_space<vmem>>, vector<5x128xf32>
    %get3A_129 = arith.constant 10 : index
    %get3A_130 = arith.constant 0 : index
    %get3A_131 = vector.load %arg0[%get3A_129, %get3A_130] : memref<15x128xf32, #tpu.memory_space<vmem>>, vector<1x128xf32>
    %get3A_132 = vector.shape_cast %get3A_131 : vector<1x128xf32> to vector<128xf32>
    %broadcast_in_dim3A_133 = vector.shape_cast %get3A_132 : vector<128xf32> to vector<1x128xf32>
    %add3A_134 = vector.broadcast %broadcast_in_dim3A_133 : vector<1x128xf32> to vector<5x128xf32>
    %add3A_135 = arith.addf %get3A_128, %add3A_134 : vector<5x128xf32>
    %swap3A_136 = arith.constant 50 : index
    %swap3A_137 = arith.constant 0 : index
    %swap3A_138 = vector.load %arg4[%swap3A_136, %swap3A_137] : memref<75x128xf32, #tpu.memory_space<vmem>>, vector<5x128xf32>
    tpu.vector_store %arg4[%swap3A_136, %swap3A_137], %add3A_135 {strides = array<i32>} : memref<75x128xf32, #tpu.memory_space<vmem>>, vector<5x128xf32>,
    %get3A_139 = arith.constant 0 : index
    %get3A_140 = arith.constant 0 : index
    %get3A_141 = vector.load %arg1[%get3A_139, %get3A_140] : memref<5x128xf32, #tpu.memory_space<vmem>>, vector<5x128xf32>
    %get3A_142 = arith.constant 11 : index
    %get3A_143 = arith.constant 0 : index
    %get3A_144 = vector.load %arg0[%get3A_142, %get3A_143] : memref<15x128xf32, #tpu.memory_space<vmem>>, vector<1x128xf32>
    %get3A_145 = vector.shape_cast %get3A_144 : vector<1x128xf32> to vector<128xf32>
    %broadcast_in_dim3A_146 = vector.shape_cast %get3A_145 : vector<128xf32> to vector<1x128xf32>
    %add3A_147 = vector.broadcast %broadcast_in_dim3A_146 : vector<1x128xf32> to vector<5x128xf32>
    %add3A_148 = arith.addf %get3A_141, %add3A_147 : vector<5x128xf32>
    %swap3A_149 = arith.constant 55 : index
    %swap3A_150 = arith.constant 0 : index
    %swap3A_151 = vector.load %arg4[%swap3A_149, %swap3A_150] : memref<75x128xf32, #tpu.memory_space<vmem>>, vector<5x128xf32>
    tpu.vector_store %arg4[%swap3A_149, %swap3A_150], %add3A_148 {strides = array<i32>} : memref<75x128xf32, #tpu.memory_space<vmem>>, vector<5x128xf32>,
    %get3A_152 = arith.constant 0 : index
    %get3A_153 = arith.constant 0 : index
    %get3A_154 = vector.load %arg1[%get3A_152, %get3A_153] : memref<5x128xf32, #tpu.memory_space<vmem>>, vector<5x128xf32>
    %get3A_155 = arith.constant 12 : index
    %get3A_156 = arith.constant 0 : index
    %get3A_157 = vector.load %arg0[%get3A_155, %get3A_156] : memref<15x128xf32, #tpu.memory_space<vmem>>, vector<1x128xf32>
    %get3A_158 = vector.shape_cast %get3A_157 : vector<1x128xf32> to vector<128xf32>
    %broadcast_in_dim3A_159 = vector.shape_cast %get3A_158 : vector<128xf32> to vector<1x128xf32>
    %add3A_160 = vector.broadcast %broadcast_in_dim3A_159 : vector<1x128xf32> to vector<5x128xf32>
    %add3A_161 = arith.addf %get3A_154, %add3A_160 : vector<5x128xf32>
    %swap3A_162 = arith.constant 60 : index
    %swap3A_163 = arith.constant 0 : index
    %swap3A_164 = vector.load %arg4[%swap3A_162, %swap3A_163] : memref<75x128xf32, #tpu.memory_space<vmem>>, vector<5x128xf32>
    tpu.vector_store %arg4[%swap3A_162, %swap3A_163], %add3A_161 {strides = array<i32>} : memref<75x128xf32, #tpu.memory_space<vmem>>, vector<5x128xf32>,
    %get3A_165 = arith.constant 0 : index
    %get3A_166 = arith.constant 0 : index
    %get3A_167 = vector.load %arg1[%get3A_165, %get3A_166] : memref<5x128xf32, #tpu.memory_space<vmem>>, vector<5x128xf32>
    %get3A_168 = arith.constant 13 : index
    %get3A_169 = arith.constant 0 : index
    %get3A_170 = vector.load %arg0[%get3A_168, %get3A_169] : memref<15x128xf32, #tpu.memory_space<vmem>>, vector<1x128xf32>
    %get3A_171 = vector.shape_cast %get3A_170 : vector<1x128xf32> to vector<128xf32>
    %broadcast_in_dim3A_172 = vector.shape_cast %get3A_171 : vector<128xf32> to vector<1x128xf32>
    %add3A_173 = vector.broadcast %broadcast_in_dim3A_172 : vector<1x128xf32> to vector<5x128xf32>
    %add3A_174 = arith.addf %get3A_167, %add3A_173 : vector<5x128xf32>
    %swap3A_175 = arith.constant 65 : index
    %swap3A_176 = arith.constant 0 : index
    %swap3A_177 = vector.load %arg4[%swap3A_175, %swap3A_176] : memref<75x128xf32, #tpu.memory_space<vmem>>, vector<5x128xf32>
    tpu.vector_store %arg4[%swap3A_175, %swap3A_176], %add3A_174 {strides = array<i32>} : memref<75x128xf32, #tpu.memory_space<vmem>>, vector<5x128xf32>,
    %get3A_178 = arith.constant 0 : index
    %get3A_179 = arith.constant 0 : index
    %get3A_180 = vector.load %arg1[%get3A_178, %get3A_179] : memref<5x128xf32, #tpu.memory_space<vmem>>, vector<5x128xf32>
    %get3A_181 = arith.constant 14 : index
    %get3A_182 = arith.constant 0 : index
    %get3A_183 = vector.load %arg0[%get3A_181, %get3A_182] : memref<15x128xf32, #tpu.memory_space<vmem>>, vector<1x128xf32>
    %get3A_184 = vector.shape_cast %get3A_183 : vector<1x128xf32> to vector<128xf32>
    %broadcast_in_dim3A_185 = vector.shape_cast %get3A_184 : vector<128xf32> to vector<1x128xf32>
    %add3A_186 = vector.broadcast %broadcast_in_dim3A_185 : vector<1x128xf32> to vector<5x128xf32>
    %add3A_187 = arith.addf %get3A_180, %add3A_186 : vector<5x128xf32>
    %swap3A_188 = arith.constant 70 : index
    %swap3A_189 = arith.constant 0 : index
    %swap3A_190 = vector.load %arg4[%swap3A_188, %swap3A_189] : memref<75x128xf32, #tpu.memory_space<vmem>>, vector<5x128xf32>
    tpu.vector_store %arg4[%swap3A_188, %swap3A_189], %add3A_187 {strides = array<i32>} : memref<75x128xf32, #tpu.memory_space<vmem>>, vector<5x128xf32>,
    %get3A_191 = arith.constant 0 : index
    %get3A_192 = arith.constant 0 : index
    %get3A_193 = vector.load %arg2[%get3A_191, %get3A_192] : memref<128x128xi32, #tpu.memory_space<vmem>>, vector<128x128xi32>
    %mul3A = arith.constant 5 : i32
    %mul3A_194 = vector.broadcast %mul3A : i32 to vector<128x128xi32>
    %mul3A_195 = arith.muli %get3A_193, %mul3A_194 : vector<128x128xi32>
    %get3A_196 = arith.constant 0 : index
    %get3A_197 = arith.constant 0 : index
    %get3A_198 = vector.load %arg3[%get3A_196, %get3A_197] : memref<128x128xi32, #tpu.memory_space<vmem>>, vector<128x128xi32>
    %add3A_199 = arith.addi %mul3A_195, %get3A_198 : vector<128x128xi32>
    %swap3A_200 = arith.constant 0 : index
    %swap3A_201 = arith.constant 0 : index
    %swap3A_202 = vector.load %arg5[%swap3A_200, %swap3A_201] : memref<128x128xi32, #tpu.memory_space<vmem>>, vector<128x128xi32>
    tpu.vector_store %arg5[%swap3A_200, %swap3A_201], %add3A_199 {strides = array<i32>} : memref<128x128xi32, #tpu.memory_space<vmem>>, vector<128x128xi32>,
    return
  }
}

</mosaic_0001>

<sc_bundles>
// kernel: kernel.4.cloned.1.call-start
scs
__scs_entry_jumppad:
0x0: {  	(pc) =	sbr.rel $0x88, $3  }
0x1: {  	(tag) =	ssettag $0x0;
	lr =	simm.s32 $0x1  }
0x2: {  	[smem:$0x3F9D] =	sst lr;
	_ =	strace $0xD0000000  }
0x3: {  	_ = 	snop  }
0x4: {  	_ = 	snop  }
0x5: {  	_ = 	snop  }
0x6: {  	_ = 	snop  }
0x7: {  	_ = 	snop  }
__scs_overlays_trampoline_lowered:
0x8: {  	[smem:$0x3FAC] =	sst s0  }
0x9: {  	[smem:$0x3FAD] =	sst s1  }
0xa: {  	[smem:$0x3FAE] =	sst s2  }
0xb: {  	[smem:$0x3FAF] =	sst s3  }
0xc: {  	[smem:$0x3FB0] =	sst s4  }
0xd: {  	[smem:$0x3FB1] =	sst s5  }
0xe: {  	[smem:$0x3FB2] =	sst s6  }
0xf: {  	[smem:$0x3FB3] =	sst s7  }
0x10: {  	[smem:$0x3FB4] =	sst s8  }
0x11: {  	[smem:$0x3FB5] =	sst s9;
	s0 =	simm.s32 @!p0 $0x0  }
0x12: {  	s1 =	sld [smem:$0x3F9B];
	s0 =	simm.s32 @p0 $0x1  }
0x13: {  	[smem:$0x3FB6] =	sst s0;
	s0 =	simm.s32 @!p1 $0x0  }
0x14: {  	s2 =	sld [smem:$0x3F9A];
	s0 =	simm.s32 @p1 $0x1  }
0x15: {  	[smem:$0x3FB7] =	sst s0;
	s0 =	simm.s32 @!p2 $0x0  }
0x16: {  	s3 =	sld [smem:$0x3FDB];
	s0 =	simm.s32 @p2 $0x1  }
0x17: {  	s4 =	simm.s32 $0x1BF5;
	[smem:$0x3FB9] =	sst s0  }
0x18: {  	s0 =	sld [smem:$0x3F9C];
	_ =	swait.ge [sflag:s4], $0x0  }
0x19: {  	s7 =	sld [smem:$0x3F9D]  }
0x1a: {  	s8 =	sadd.s32 $0xFFFFE003, lr  }
0x1b: {  	s9 =	sadd.s32 $0xFFFFFEF7, lr;
	s5 =	simm.s32 $0xFFFFFFFF;
	p2 =	slt.u32 s8, $0xFFFFF086  }
0x1c: {  	p1 =	slt.u32 s9, $0xF7A;
	s5 =	simm.s32 @!p2 $0x0  }
0x1d: {  	s5 =	simm.s32 @p1 $0x1;
	p0 =	seq.s32 s7, s2  }
0x1e: {  	s7 =	smul.u32 @!p0 $0xF7A, s2;
	p2 =	seq.s32 @!p0 s5, $0x0  }
0x1f: {  	s9 =	smul.u32 $0xF7A, s1;
	s8 =	simm.s32 @!p0 $0x1BF5;
	p2 =	por !p2, p0  }
0x20: {  	[sflag:s8] =	ssyncset.s32 @!p0 $0xFFFFF086;
	s6 =	sadd.s32 @!p0 s3, s7;
	s7 =	simm.s32 @!p0 $0x108  }
0x21: {  	s3 =	sadd.s32 s3, s9;
	s6 =	sadd.s32 @!p0 $0x88, s6;
	s7 =	simm.s32 @p2 $0x1082  }
0x22: {  	[simem:s7], [sflag:s8] =	dma.local @!p0 [hbm:s6], $0xF7A  }
0x23: {  	s9 =	sor.u32 $0xD0000000, s2;
	s6 =	simm.s32 $0x108;
	_ =	swait.ge @!p0 [sflag:s8], $0x0  }
0x24: {  	s3 =	sadd.s32 $0x88, s3;
	s6 =	simm.s32 @!p1 $0x1082;
	[sflag:s4] =	ssyncset.s32 $0xFFFFF086  }
0x25: {  	[simem:s6], [sflag:s4] =	dma.local [hbm:s3], $0xF7A  }
0x26: {  	[smem:$0x3F9D] =	sst s1;
	(tag) =	ssettag s2;
	_ =	strace s9  }
0x27: {  	s1 =	sld [smem:$0x3FAD]  }
0x28: {  	s2 =	sld [smem:$0x3FAE]  }
0x29: {  	s4 =	sld [smem:$0x3FB0]  }
0x2a: {  	p0 =	seq.s32 s5, $0x0;
	s5 =	sld [smem:$0x3FB1]  }
0x2b: {  	s6 =	sld [smem:$0x3FB2]  }
0x2c: {  	s7 =	sld [smem:$0x3FB3]  }
0x2d: {  	s3 =	simm.s32 $0x108;
	s8 =	sld [smem:$0x3FB4]  }
0x2e: {  	s3 =	simm.s32 @!p0 $0x1082;
	s9 =	sld [smem:$0x3FB5]  }
0x2f: {  	lr =	sadd.s32 s0, s3;
	s0 =	sld [smem:$0x3FAC]  }
0x30: {  	s3 =	sld [smem:$0x3FAF]  }
0x31: {  	[smem:$0x3FB8] =	sst s10  }
0x32: {  	s10 =	sld [smem:$0x3FB6];
	_ =	sdelay $0x3  }
0x33: {  	p0 =	seq.s32 s10, $0x1;
	s10 =	sld [smem:$0x3FB8];
	_ =	sdelay $0x3  }
0x34: {  	[smem:$0x3FB8] =	sst s10  }
0x35: {  	s10 =	sld [smem:$0x3FB7];
	_ =	sdelay $0x3  }
0x36: {  	p1 =	seq.s32 s10, $0x1;
	s10 =	sld [smem:$0x3FB8];
	_ =	sdelay $0x3  }
0x37: {  	[smem:$0x3FB8] =	sst s10  }
0x38: {  	s10 =	sld [smem:$0x3FB9]  }
0x39: {  	_ = 	snop;
	(pc) =	sbr.ind lr, $3  }
0x3a: {  	_ = 	snop  }
0x3b: {  	_ = 	snop  }
0x3c: {  	p2 =	seq.s32 s10, $0x1;
	s10 =	sld [smem:$0x3FB8]  }
0x3d: {  	_ =	shalt  }
0x3e: {  	_ =	shalt  }
0x3f: {  	_ =	shalt  }
0x40: {  	_ =	shalt  }
0x41: {  	_ =	shalt  }
0x42: {  	_ =	shalt  }
0x43: {  	_ =	shalt  }
0x44: {  	_ =	shalt  }
0x45: {  	_ =	shalt  }
0x46: {  	_ =	shalt  }
0x47: {  	_ =	shalt  }
0x48: {  	_ =	shalt  }
0x49: {  	_ =	shalt  }
0x4a: {  	_ =	shalt  }
0x4b: {  	_ =	shalt  }
0x4c: {  	_ =	shalt  }
0x4d: {  	_ =	shalt  }
0x4e: {  	_ =	shalt  }
0x4f: {  	_ =	shalt  }
0x50: {  	_ =	shalt  }
0x51: {  	_ =	shalt  }
0x52: {  	_ =	shalt  }
0x53: {  	_ =	shalt  }
0x54: {  	_ =	shalt  }
0x55: {  	_ =	shalt  }
0x56: {  	_ =	shalt  }
0x57: {  	_ =	shalt  }
0x58: {  	_ =	shalt  }
0x59: {  	_ =	shalt  }
0x5a: {  	_ =	shalt  }
0x5b: {  	_ =	shalt  }
0x5c: {  	_ =	shalt  }
0x5d: {  	_ =	shalt  }
0x5e: {  	_ =	shalt  }
0x5f: {  	_ =	shalt  }
0x60: {  	_ =	shalt  }
0x61: {  	_ =	shalt  }
0x62: {  	_ =	shalt  }
0x63: {  	_ =	shalt  }
0x64: {  	_ =	shalt  }
0x65: {  	_ =	shalt  }
0x66: {  	_ =	shalt  }
0x67: {  	_ =	shalt  }
0x68: {  	_ =	shalt  }
0x69: {  	_ =	shalt  }
0x6a: {  	_ =	shalt  }
0x6b: {  	_ =	shalt  }
0x6c: {  	_ =	shalt  }
0x6d: {  	_ =	shalt  }
0x6e: {  	_ =	shalt  }
0x6f: {  	_ =	shalt  }
0x70: {  	_ =	shalt  }
0x71: {  	_ =	shalt  }
0x72: {  	_ =	shalt  }
0x73: {  	_ =	shalt  }
0x74: {  	_ =	shalt  }
0x75: {  	_ =	shalt  }
0x76: {  	_ =	shalt  }
0x77: {  	_ =	shalt  }
0x78: {  	_ =	shalt  }
0x79: {  	_ =	shalt  }
0x7a: {  	_ =	shalt  }
0x7b: {  	_ =	shalt  }
0x7c: {  	_ =	shalt  }
0x7d: {  	_ =	shalt  }
0x7e: {  	_ =	shalt  }
0x7f: {  	_ =	shalt  }
0x80: {  	_ =	shalt  }
0x81: {  	_ =	shalt  }
0x82: {  	_ =	shalt  }
0x83: {  	_ =	shalt  }
0x84: {  	_ =	shalt  }
0x85: {  	_ =	shalt  }
0x86: {  	_ =	shalt  }
0x87: {  	_ =	shalt  }
.Lfunc_end0:
.L_simem_size_0:
called_computation_lowered:
.L_overlay_start_0:
0x88: {  	s2 =	sld [smem:$0x3FD9]  }
0x89: {  	s3 =	sld [smem:$0x3FFE];
	_ =	sdelay $0x1  }
0x8a: {  	s1 =	srdreg.scid  }
0x8b: {  	s0 =	sand.u32 $0x1, s1  }
0x8c: {  	s17 =	sshll.u32 s0, $0xA;
	s2 =	sadd.s32 s3, s2  }
0x8d: {  	s2 =	sadd.s32 s2, s17  }
0x8e: {  	[smem:$0x3FC4] =	sst s2  }
0x8f: {  	_ = 	snop  }
0x90: {  	s2 =	sld [smem:$0x3FD0];
	(tm) =	ssettm $0x1  }
0x91: {  	s18 =	sld [smem:$0x3FFB];
	_ =	sdelay $0x3  }
0x92: {  	_ =	strace s18  }
0x93: {  	s3 =	sld [smem:$0x3FFC];
	_ =	sdelay $0x3  }
0x94: {  	_ =	strace s3  }
0x95: {  	s3 =	sld [smem:$0x3FFD];
	_ =	sdelay $0x3  }
0x96: {  	_ =	strace s3  }
0x97: {  	_ =	strace $0x8FFFFFFF  }
0x98: {  	s19 =	sld [smem:$0x3FDB];
	_ =	sdelay $0x1  }
0x99: {  	s4 =	simm.s32 $_scs_section_size  }
0x9a: {  	s5 =	simm.s32 $_size__tile_overlayer_lowered;
	s6 =	simm.s32 $_tile_overlayer_lowered  }
0x9b: {  	s22 =	simm.s32 $0x1BFF;
	s21 =	sshll.u32 s6, $0x1;
	s3 =	sadd.s32 s4, s19  }
0x9c: {  	s7 =	simm.s32 $0x0;
	s20 =	sshll.u32 s5, $0x1;
	s5 =	sadd.s32 s21, s3  }
0x9d: {  	[timem:s7], [sflag:s22] =	dma.local [hbm:s5], s20  }
0x9e: {  	_ =	swait.ge [sflag:s22], s20  }
0x9f: {  	s4 =	ssub.s32 $0x0, s20;
	[sflag:s22] =	ssyncset.done $0x0  }
0xa0: {  	[sflag:s22] =	ssyncadd.s32 s4;
	_ =	sdelay $0x1  }
0xa1: {  	s23 =	simm.s32 $0x1B8B  }
0xa2: {  	_ =	swait.ge [sflag:s23], $0x1  }
0xa3: {  	[sflag:s23] =	ssyncset.done $0x0  }
0xa4: {  	s25 =	simm.s32 $0x1B8E;
	s24 =	sld [smem:$0x3FFE];
	[sflag:s23] =	ssyncadd.s32 $0xFFFFFFFF  }
0xa5: {  	s26 =	simm.s32 $execute0_lowered;
	[smem:$0x3FD2] =	sst s25  }
0xa6: {  	s5 =	sshll.u32 s26, $0x1;
	_ =	strace $0x80000046;
	[dreg:$0x1] =	wrdreg $0xFFFFFFFF  }
0xa7: {  	s28 =	simm.s32 $_size_execute0_lowered;
	s3 =	sadd.s32 s3, s5;
	[dreg:$0x0] =	wrdreg $0x0  }
0xa8: {  	s5 =	sshll.u32 s28, $0x1;
	[dreg:$0x2] =	wrdreg s3  }
0xa9: {  	[dreg:$0x3] =	wrdreg s5  }
0xaa: {  	[dreg:$0x4] =	wrdreg $0xC0  }
0xab: {  	_ =	task [dreg:s7], $0x5FFFF  }
0xac: {  	[dreg:$0x1] =	wrdreg $0xFFFFFFFF  }
0xad: {  	[dreg:$0x0] =	wrdreg $0x60  }
0xae: {  	[dreg:$0x2] =	wrdreg s24  }
0xaf: {  	[dreg:$0x3] =	wrdreg s2  }
0xb0: {  	[dreg:$0x4] =	wrdreg $0x102000  }
0xb1: {  	[dreg:$0x5] =	wrdreg $0x9  }
0xb2: {  	_ =	task.clear_ibuf [dreg:s7], $0x6FFFF;
	_ =	strace $0x90000046  }
0xb3: {  	s29 =	simm.s32 $0x9;
	_ =	strace $0x80000048  }
0xb4: {  	_ =	swait.ge [sflag:s29], $0x1  }
0xb5: {  	[sflag:s29] =	ssyncadd.s32 $0xFFFFFFFF  }
0xb6: {  	_ =	strace $0x90000048  }
0xb7: {  	_ =	sfence  }
0xb8: {  	s30 =	sld [smem:$0x0];
	_ =	sdelay $0x2  }
0xb9: {  	s31 =	sshll.u32 s1, $0xD;
	s1 =	sshrl.u32 s1, $0x2  }
0xba: {  	s3 =	sand.u32 $0x4000, s31;
	s1 =	sadd.s32 s1, s30  }
0xbb: {  	s0 =	sor.u32 s3, s0;
	s1 =	sshll.u32 s1, $0x11  }
0xbc: {  	s0 =	sor.u32 s1, s0  }
0xbd: {  	s0 =	sadd.s32 $0x8F2B, s0  }
0xbe: {  	[sflag:s0] =	ssyncadd.remote.s32 $0x1  }
0xbf: {  	_ =	sfence.sel $0xFFFF  }
0xc0: {  	[dreg:$0x0] =	wrdreg $0xFFFFFFFF;
	(pc) =	sbr.abs _section_cstart, $3  }
0xc1: {  	[dreg:$0x1] =	wrdreg $0xFFFFFFFF  }
0xc2: {  	_ =	task.clear_ibuf [dreg:s7], $0x2FFFF;
	_ =	strace $0x9FFFFFFF  }
0xc3: {  	(tm) =	ssettm $0x7FFFFFFF  }
tec
execute0_lowered:
.L_overlay_start_1:
0x0: {  	(tag) =	ssettag $0x1  }
0x1: {  	s1 =	rddreg [dreg:$0x0]  }
0x2: {  	s4 =	rddreg [dreg:$0x1]  }
0x3: {  	s2 =	rddreg [dreg:$0x2];
	s3 =	simm.s32 $0x0  }
0x4: {  	[smem:$0x7FF] =	sst s3;
	s7 =	sadd.s32 $0x1A00, s1  }
0x5: {  	s25 =	sadd.s32 $0x1E80, s1;
	_ =	strace $0x80000047;
	[dreg:$0x4] =	wrdreg s7  }
0x6: {  	s0 =	srdreg.scid;
	s26 =	sadd.s32 $0x1D00, s1;
	[dreg:$0x6] =	wrdreg s25  }
0x7: {  	s8 =	stileid.u32;
	s14 =	simm.s32 $0x80;
	[dreg:$0x7] =	wrdreg s26  }
0x8: {  	s15 =	simm.s32 $0xC0;
	s16 =	simm.s32 $0x100;
	[dreg:$0x14] =	wrdreg s14  }
0x9: {  	s17 =	simm.s32 $0x140;
	s18 =	simm.s32 $0x180;
	[dreg:$0x15] =	wrdreg s15  }
0xa: {  	s20 =	simm.s32 $0x1C0;
	s0 =	sand.u32 $0x1, s0;
	[dreg:$0x16] =	wrdreg s16  }
0xb: {  	s5 =	sshll.u32 s8, $0xA;
	s6 =	sshll.u32 s0, $0x9;
	[dreg:$0x17] =	wrdreg s17  }
0xc: {  	p3 =	sgt.s32 s8, $0x1;
	[dreg:$0x18] =	wrdreg s18;
	s5 =	sor.u32 s6, s5  }
0xd: {  	p1 =	seq.s32 @p3 s8, $0x2;
	[dreg:$0x19] =	wrdreg s20;
	s6 =	sshrl.u32 s5, $0x3  }
0xe: {  	s5 =	sshll.u32 s5, $0x4;
	s6 =	sadd.s32 s6, s1;
	s1 =	sadd.s32 $0x1B80, s1  }
0xf: {  	s4 =	sadd.s32 s4, s5;
	s6 =	sadd.s32 $0x1200, s6;
	[dreg:$0x8] =	wrdreg s1  }
0x10: {  	p4 =	seq.s32 @!p3 s8, $0x0;
	s7 =	sadd.s32 $0x800, s4;
	[dreg:$0x5] =	wrdreg s6  }
0x11: {  	p2 =	por p1, !p3;
	s9 =	sadd.s32 $0xC00, s4;
	[dreg:$0xa] =	wrdreg s7  }
0x12: {  	p0 =	por !p1, !p3;
	s10 =	sadd.s32 $0x1000, s4;
	[dreg:$0xb] =	wrdreg s9  }
0x13: {  	p2 =	seq.s32 @!p2 s8, $0x3;
	s11 =	sadd.s32 $0x1400, s4;
	[dreg:$0xc] =	wrdreg s10  }
0x14: {  	s5 =	sadd.s32 $0x2400, s2;
	s12 =	sadd.s32 $0x1800, s4;
	[dreg:$0xd] =	wrdreg s11  }
0x15: {  	p1 =	por @p3 !p2, p1;
	s13 =	sadd.s32 $0x1C00, s4;
	[dreg:$0xe] =	wrdreg s12  }
0x16: {  	p2 =	por p4, p3;
	s6 =	sadd.s32 $0x400, s4;
	[dreg:$0xf] =	wrdreg s13  }
0x17: {  	p1 =	por p1, !p3;
	[dreg:$0x9] =	wrdreg s6;
	s6 =	sadd.s32 $0x1800, s2  }
0x18: {  	p5 =	seq.s32 @!p2 s8, $0x1;
	s19 =	rddreg [dreg:$0x5];
	s1 =	sshrl.u32 @!p0 s6, $0x3  }
0x19: {  	[tilespmem:s3], [sflag:$0x9] =	stream.linear.gather [hbm4b:s19+s3], $0x200, $0x38;
	[tilespmem:$0x10458] =	vst v63  }
0x1a: {  	p2 =	por !p4, p3;
	[dreg:$0x11] =	wrdreg s1;
	s1 =	sshrl.u32 @!p1 s5, $0x3  }
0x1b: {  	s7 =	sadd.s32 $0xC00, s2;
	p4 =	por @!p3 !p5, p4;
	[dreg:$0x10] =	wrdreg s1  }
0x1c: {  	p3 =	por p4, p3;
	s1 =	sshrl.u32 @!p2 s2, $0x3;
	s8 =	rddreg [dreg:$0x11]  }
0x1d: {  	[dreg:$0x13] =	wrdreg s1;
	s1 =	sshrl.u32 @!p3 s7, $0x3  }
0x1e: {  	[dreg:$0x12] =	wrdreg s1  }
0x1f: {  	s6 =	simm.s32 @!p0 $0xB;
	s5 =	simm.s32 @!p0 $0x1C8B;
	s1 =	rddreg [dreg:$0x7]  }
0x20: {  	[spmem:s8], [sflag:s5] =	dma.local @!p0 [hbm:s1], $0x180  }
0x21: {  	_ =	swait.ge @!p0 [sflag:s6], $0x180  }
0x22: {  	s5 =	simm.s32 @!p1 $0x1CCB;
	s1 =	rddreg [dreg:$0x6];
	[sflag:s6] =	ssyncset.done @!p0 $0x0  }
0x23: {  	s8 =	simm.s32 @!p1 $0xB;
	s9 =	rddreg [dreg:$0x10];
	[sflag:s6] =	ssyncadd.s32 @!p0 $0xFFFFFE80  }
0x24: {  	[spmem:s9], [sflag:s5] =	dma.local @!p1 [hbm:s1], $0x30  }
0x25: {  	_ =	swait.ge @!p1 [sflag:s8], $0x30  }
0x26: {  	s10 =	simm.s32 @!p2 $0xB;
	s1 =	rddreg [dreg:$0x4];
	[sflag:s8] =	ssyncset.done @!p1 $0x0  }
0x27: {  	s5 =	simm.s32 @!p2 $0x1C0B;
	s11 =	rddreg [dreg:$0x13];
	[sflag:s8] =	ssyncadd.s32 @!p1 $0xFFFFFFD0  }
0x28: {  	[spmem:s11], [sflag:s5] =	dma.local @!p2 [hbm:s1], $0x180  }
0x29: {  	_ =	swait.ge @!p2 [sflag:s10], $0x180  }
0x2a: {  	s12 =	simm.s32 @!p3 $0xB;
	s1 =	rddreg [dreg:$0x8];
	[sflag:s10] =	ssyncset.done @!p2 $0x0  }
0x2b: {  	s11 =	simm.s32 @!p3 $0x1C4B;
	s13 =	rddreg [dreg:$0x12];
	[sflag:s10] =	ssyncadd.s32 @!p2 $0xFFFFFE80  }
0x2c: {  	[spmem:s13], [sflag:s11] =	dma.local @!p3 [hbm:s1], $0x180  }
0x2d: {  	_ =	swait.ge @!p3 [sflag:s12], $0x180  }
0x2e: {  	[sflag:s12] =	ssyncset.done @!p3 $0x0  }
0x2f: {  	s13 =	simm.s32 $0x9;
	[sflag:s12] =	ssyncadd.s32 @!p3 $0xFFFFFE80  }
0x30: {  	_ =	swait.ge [sflag:s13], $0x200  }
0x31: {  	[sflag:s13] =	ssyncset.done $0x0  }
0x32: {  	[sflag:s13] =	ssyncadd.s32 $0xFFFFFE00  }
0x33: {  	s14 =	simm.s32 $0x40;
	s15 =	simm.s32 $0x200;
	[bflag:$0x0] =	sbarrier.arrive $0xFFFF  }
0x34: {  	[tilespmem:s15], [sflag:$0x1] =	stream.indirect.gather [spmem:s2], $0x80, s3, s14, $0xb8;
	[tilespmem:$0x10458] =	vst v63  }
0x35: {  	s16 =	simm.s32 $0x2200  }
0x36: {  	[tilespmem:s16], [sflag:$0x2] =	stream.indirect.gather [spmem:s2], $0x80, s14, s14, $0xb8;
	[tilespmem:$0x10458] =	vst v63  }
0x37: {  	s17 =	simm.s32 $0x4200;
	s21 =	rddreg [dreg:$0x14]  }
0x38: {  	[tilespmem:s17], [sflag:$0x3] =	stream.indirect.gather [spmem:s2], $0x80, s21, s14, $0xb8;
	[tilespmem:$0x10458] =	vst v63  }
0x39: {  	s18 =	simm.s32 $0x6200;
	s19 =	rddreg [dreg:$0x15]  }
0x3a: {  	[tilespmem:s18], [sflag:$0x4] =	stream.indirect.gather [spmem:s2], $0x80, s19, s14, $0xb8;
	[tilespmem:$0x10458] =	vst v63  }
0x3b: {  	s22 =	rddreg [dreg:$0x16];
	s19 =	simm.s32 $0x8200  }
0x3c: {  	[tilespmem:s19], [sflag:$0x5] =	stream.indirect.gather [spmem:s2], $0x80, s22, s14, $0xb8;
	[tilespmem:$0x10458] =	vst v63  }
0x3d: {  	s20 =	simm.s32 $0xA200;
	s21 =	rddreg [dreg:$0x17]  }
0x3e: {  	[tilespmem:s20], [sflag:$0x6] =	stream.indirect.gather [spmem:s2], $0x80, s21, s14, $0xb8;
	[tilespmem:$0x10458] =	vst v63  }
0x3f: {  	s23 =	rddreg [dreg:$0x18];
	s21 =	simm.s32 $0xC200  }
0x40: {  	[tilespmem:s21], [sflag:$0x7] =	stream.indirect.gather [spmem:s2], $0x80, s23, s14, $0xb8;
	[tilespmem:$0x10458] =	vst v63  }
0x41: {  	s24 =	rddreg [dreg:$0x19];
	s22 =	simm.s32 $0xE200;
	s23 =	simm.s32 $0x1  }
0x42: {  	[tilespmem:s22], [sflag:$0x8] =	stream.indirect.gather [spmem:s2], $0x80, s24, s14, $0xb8;
	[tilespmem:$0x10458] =	vst v63  }
0x43: {  	_ =	swait.ge [sflag:s23], $0x2000  }
0x44: {  	[sflag:s23] =	ssyncset.done $0x0  }
0x45: {  	s24 =	simm.s32 $0x2;
	[sflag:s23] =	ssyncadd.s32 $0xFFFFE000  }
0x46: {  	[hbm4b:s4+s3] =	stream.linear.scatter [tilespmem:s15], [sflag:$0xA], $0x2000, $0x38;
	[tilespmem:$0x10458] =	vst v63  }
0x47: {  	_ =	swait.ge [sflag:s24], $0x2000  }
0x48: {  	[sflag:s24] =	ssyncset.done $0x0  }
0x49: {  	s25 =	rddreg [dreg:$0x9];
	[sflag:s24] =	ssyncadd.s32 $0xFFFFE000  }
0x4a: {  	[hbm4b:s25+s3] =	stream.linear.scatter [tilespmem:s16], [sflag:$0xA], $0x2000, $0x38;
	[tilespmem:$0x10458] =	vst v63  }
0x4b: {  	s25 =	simm.s32 $0x3  }
0x4c: {  	_ =	swait.ge [sflag:s25], $0x2000  }
0x4d: {  	[sflag:s25] =	ssyncset.done $0x0  }
0x4e: {  	s26 =	rddreg [dreg:$0xa];
	[sflag:s25] =	ssyncadd.s32 $0xFFFFE000  }
0x4f: {  	[hbm4b:s26+s3] =	stream.linear.scatter [tilespmem:s17], [sflag:$0xA], $0x2000, $0x38;
	[tilespmem:$0x10458] =	vst v63  }
0x50: {  	s26 =	simm.s32 $0x4  }
0x51: {  	_ =	swait.ge [sflag:s26], $0x2000  }
0x52: {  	[sflag:s26] =	ssyncset.done $0x0  }
0x53: {  	s28 =	simm.s32 $0x5;
	s5 =	rddreg [dreg:$0xb];
	[sflag:s26] =	ssyncadd.s32 $0xFFFFE000  }
0x54: {  	[hbm4b:s5+s3] =	stream.linear.scatter [tilespmem:s18], [sflag:$0xA], $0x2000, $0x38;
	[tilespmem:$0x10458] =	vst v63  }
0x55: {  	_ =	swait.ge [sflag:s28], $0x2000  }
0x56: {  	[sflag:s28] =	ssyncset.done $0x0  }
0x57: {  	s29 =	simm.s32 $0x6;
	s7 =	rddreg [dreg:$0xc];
	[sflag:s28] =	ssyncadd.s32 $0xFFFFE000  }
0x58: {  	[hbm4b:s7+s3] =	stream.linear.scatter [tilespmem:s19], [sflag:$0xA], $0x2000, $0x38;
	[tilespmem:$0x10458] =	vst v63  }
0x59: {  	_ =	swait.ge [sflag:s29], $0x2000  }
0x5a: {  	[sflag:s29] =	ssyncset.done $0x0  }
0x5b: {  	s30 =	simm.s32 $0x7;
	s9 =	rddreg [dreg:$0xd];
	[sflag:s29] =	ssyncadd.s32 $0xFFFFE000  }
0x5c: {  	[hbm4b:s9+s3] =	stream.linear.scatter [tilespmem:s20], [sflag:$0xA], $0x2000, $0x38;
	[tilespmem:$0x10458] =	vst v63  }
0x5d: {  	_ =	swait.ge [sflag:s30], $0x2000  }
0x5e: {  	[sflag:s30] =	ssyncset.done $0x0  }
0x5f: {  	s31 =	simm.s32 $0x8;
	s5 =	rddreg [dreg:$0xe];
	[sflag:s30] =	ssyncadd.s32 $0xFFFFE000  }
0x60: {  	[hbm4b:s5+s3] =	stream.linear.scatter [tilespmem:s21], [sflag:$0xA], $0x2000, $0x38;
	[tilespmem:$0x10458] =	vst v63  }
0x61: {  	_ =	swait.ge [sflag:s31], $0x2000  }
0x62: {  	[sflag:s31] =	ssyncset.done $0x0  }
0x63: {  	s1 =	simm.s32 $0xA;
	s7 =	rddreg [dreg:$0xf];
	[sflag:s31] =	ssyncadd.s32 $0xFFFFE000  }
0x64: {  	[hbm4b:s7+s3] =	stream.linear.scatter [tilespmem:s22], [sflag:$0xA], $0x2000, $0x38;
	[tilespmem:$0x10458] =	vst v63  }
0x65: {  	_ =	swait.ge [sflag:s1], $0x2000  }
0x66: {  	[sflag:s1] =	ssyncset.done $0x0  }
0x67: {  	[sflag:s1] =	ssyncadd.s32 $0xFFFFE000  }
0x68: {  	_ =	swait.ge [sflag:s1], $0x2000  }
0x69: {  	[sflag:s1] =	ssyncset.done $0x0  }
0x6a: {  	[sflag:s1] =	ssyncadd.s32 $0xFFFFE000  }
0x6b: {  	_ =	swait.ge [sflag:s1], $0x2000  }
0x6c: {  	[sflag:s1] =	ssyncset.done $0x0  }
0x6d: {  	s9 =	ssub.s32 $0x2, s0;
	[sflag:s1] =	ssyncadd.s32 $0xFFFFE000  }
0x6e: {  	s0 =	sshrl.u32 s9, $0x1;
	_ =	swait.ge [sflag:s1], $0x2000  }
0x6f: {  	s0 =	ssub.s32 s9, s0;
	[sflag:s1] =	ssyncset.done $0x0  }
0x70: {  	s0 =	smax.u32 s0, $0x1;
	[sflag:s1] =	ssyncadd.s32 $0xFFFFE000  }
0x71: {  	s0 =	sadd.s32 $0xFFFFFFFF, s0;
	_ =	swait.ge [sflag:s1], $0x2000  }
0x72: {  	p4 =	sne.s32 s0, $0x0;
	[sflag:s1] =	ssyncset.done $0x0  }
.Ltmp0:
0x73: {  	[sflag:s1] =	ssyncadd.s32 $0xFFFFE000;
	(pc) =	sbr.rel @!p4 .LBB2_2-.Ltmp0, $4  }
0x74: {  	_ =	swait.ge [sflag:s1], $0x2000  }
0x75: {  	[sflag:s1] =	ssyncset.done $0x0  }
0x76: {  	[sflag:s1] =	ssyncadd.s32 $0xFFFFE000  }
0x77: {  	_ =	swait.ge [sflag:s1], $0x2000  }
.LBB2_1:
0x78: {  	[sflag:s1] =	ssyncset.done $0x0  }
0x79: {  	[sflag:s1] =	ssyncadd.s32 $0xFFFFE000  }
0x7a: {  	_ =	swait.ge [sflag:s1], $0x2000  }
0x7b: {  	s5 =	rddreg [dreg:$0x7];
	[sflag:s1] =	ssyncset.done $0x0  }
0x7c: {  	s7 =	rddreg [dreg:$0x5];
	[sflag:s1] =	ssyncadd.s32 $0xFFFFE000  }
0x7d: {  	[tilespmem:s3], [sflag:$0x9] =	stream.linear.gather [hbm4b:s7+s3], $0x200, $0x38;
	[tilespmem:$0x10458] =	vst v63  }
0x7e: {  	s9 =	rddreg [dreg:$0x11];
	s7 =	simm.s32 @!p0 $0x1C8B  }
0x7f: {  	[spmem:s9], [sflag:s7] =	dma.local @!p0 [hbm:s5], $0x180  }
0x80: {  	_ =	swait.ge @!p0 [sflag:s6], $0x180  }
0x81: {  	[sflag:s6] =	ssyncset.done @!p0 $0x0;
	s5 =	rddreg [dreg:$0x6]  }
0x82: {  	s9 =	simm.s32 @!p1 $0x1CCB;
	s7 =	rddreg [dreg:$0x10];
	[sflag:s6] =	ssyncadd.s32 @!p0 $0xFFFFFE80  }
0x83: {  	[spmem:s7], [sflag:s9] =	dma.local @!p1 [hbm:s5], $0x30  }
0x84: {  	_ =	swait.ge @!p1 [sflag:s8], $0x30  }
0x85: {  	[sflag:s8] =	ssyncset.done @!p1 $0x0;
	s5 =	rddreg [dreg:$0x4]  }
0x86: {  	s9 =	simm.s32 @!p2 $0x1C0B;
	s7 =	rddreg [dreg:$0x13];
	[sflag:s8] =	ssyncadd.s32 @!p1 $0xFFFFFFD0  }
0x87: {  	[spmem:s7], [sflag:s9] =	dma.local @!p2 [hbm:s5], $0x180  }
0x88: {  	_ =	swait.ge @!p2 [sflag:s10], $0x180  }
0x89: {  	[sflag:s10] =	ssyncset.done @!p2 $0x0;
	s5 =	rddreg [dreg:$0x8]  }
0x8a: {  	s7 =	rddreg [dreg:$0x12];
	[sflag:s10] =	ssyncadd.s32 @!p2 $0xFFFFFE80  }
0x8b: {  	[spmem:s7], [sflag:s11] =	dma.local @!p3 [hbm:s5], $0x180  }
0x8c: {  	_ =	swait.ge @!p3 [sflag:s12], $0x180  }
0x8d: {  	[sflag:s12] =	ssyncset.done @!p3 $0x0  }
0x8e: {  	[sflag:s12] =	ssyncadd.s32 @!p3 $0xFFFFFE80  }
0x8f: {  	_ =	swait.ge [sflag:s13], $0x200  }
0x90: {  	[sflag:s13] =	ssyncset.done $0x0  }
0x91: {  	[sflag:s13] =	ssyncadd.s32 $0xFFFFFE00  }
0x92: {  	[bflag:$0x0] =	sbarrier.arrive $0xFFFF  }
0x93: {  	[tilespmem:s15], [sflag:$0x1] =	stream.indirect.gather [spmem:s2], $0x80, s3, s14, $0xb8;
	[tilespmem:$0x10458] =	vst v63  }
0x94: {  	_ = 	snop  }
0x95: {  	[tilespmem:s16], [sflag:$0x2] =	stream.indirect.gather [spmem:s2], $0x80, s14, s14, $0xb8;
	[tilespmem:$0x10458] =	vst v63  }
0x96: {  	s7 =	rddreg [dreg:$0x14]  }
0x97: {  	[tilespmem:s17], [sflag:$0x3] =	stream.indirect.gather [spmem:s2], $0x80, s7, s14, $0xb8;
	[tilespmem:$0x10458] =	vst v63  }
0x98: {  	s9 =	rddreg [dreg:$0x15]  }
0x99: {  	[tilespmem:s18], [sflag:$0x4] =	stream.indirect.gather [spmem:s2], $0x80, s9, s14, $0xb8;
	[tilespmem:$0x10458] =	vst v63  }
0x9a: {  	s5 =	rddreg [dreg:$0x16]  }
0x9b: {  	[tilespmem:s19], [sflag:$0x5] =	stream.indirect.gather [spmem:s2], $0x80, s5, s14, $0xb8;
	[tilespmem:$0x10458] =	vst v63  }
0x9c: {  	s9 =	rddreg [dreg:$0x17]  }
0x9d: {  	[tilespmem:s20], [sflag:$0x6] =	stream.indirect.gather [spmem:s2], $0x80, s9, s14, $0xb8;
	[tilespmem:$0x10458] =	vst v63  }
0x9e: {  	s5 =	rddreg [dreg:$0x18]  }
0x9f: {  	[tilespmem:s21], [sflag:$0x7] =	stream.indirect.gather [spmem:s2], $0x80, s5, s14, $0xb8;
	[tilespmem:$0x10458] =	vst v63  }
0xa0: {  	s9 =	rddreg [dreg:$0x19]  }
0xa1: {  	[tilespmem:s22], [sflag:$0x8] =	stream.indirect.gather [spmem:s2], $0x80, s9, s14, $0xb8;
	[tilespmem:$0x10458] =	vst v63  }
0xa2: {  	_ =	swait.ge [sflag:s23], $0x2000  }
0xa3: {  	[sflag:s23] =	ssyncset.done $0x0  }
0xa4: {  	[sflag:s23] =	ssyncadd.s32 $0xFFFFE000  }
0xa5: {  	[hbm4b:s4+s3] =	stream.linear.scatter [tilespmem:s15], [sflag:$0xA], $0x2000, $0x38;
	[tilespmem:$0x10458] =	vst v63  }
0xa6: {  	_ =	swait.ge [sflag:s24], $0x2000  }
0xa7: {  	[sflag:s24] =	ssyncset.done $0x0  }
0xa8: {  	s9 =	rddreg [dreg:$0x9];
	[sflag:s24] =	ssyncadd.s32 $0xFFFFE000  }
0xa9: {  	[hbm4b:s9+s3] =	stream.linear.scatter [tilespmem:s16], [sflag:$0xA], $0x2000, $0x38;
	[tilespmem:$0x10458] =	vst v63  }
0xaa: {  	_ =	swait.ge [sflag:s25], $0x2000  }
0xab: {  	[sflag:s25] =	ssyncset.done $0x0  }
0xac: {  	s7 =	rddreg [dreg:$0xa];
	[sflag:s25] =	ssyncadd.s32 $0xFFFFE000  }
0xad: {  	[hbm4b:s7+s3] =	stream.linear.scatter [tilespmem:s17], [sflag:$0xA], $0x2000, $0x38;
	[tilespmem:$0x10458] =	vst v63  }
0xae: {  	_ =	swait.ge [sflag:s26], $0x2000  }
0xaf: {  	[sflag:s26] =	ssyncset.done $0x0  }
0xb0: {  	s9 =	rddreg [dreg:$0xb];
	[sflag:s26] =	ssyncadd.s32 $0xFFFFE000  }
0xb1: {  	[hbm4b:s9+s3] =	stream.linear.scatter [tilespmem:s18], [sflag:$0xA], $0x2000, $0x38;
	[tilespmem:$0x10458] =	vst v63  }
0xb2: {  	_ =	swait.ge [sflag:s28], $0x2000  }
0xb3: {  	[sflag:s28] =	ssyncset.done $0x0  }
0xb4: {  	s7 =	rddreg [dreg:$0xc];
	[sflag:s28] =	ssyncadd.s32 $0xFFFFE000  }
0xb5: {  	[hbm4b:s7+s3] =	stream.linear.scatter [tilespmem:s19], [sflag:$0xA], $0x2000, $0x38;
	[tilespmem:$0x10458] =	vst v63  }
0xb6: {  	_ =	swait.ge [sflag:s29], $0x2000  }
0xb7: {  	[sflag:s29] =	ssyncset.done $0x0  }
0xb8: {  	s9 =	rddreg [dreg:$0xd];
	[sflag:s29] =	ssyncadd.s32 $0xFFFFE000  }
0xb9: {  	[hbm4b:s9+s3] =	stream.linear.scatter [tilespmem:s20], [sflag:$0xA], $0x2000, $0x38;
	[tilespmem:$0x10458] =	vst v63  }
0xba: {  	_ =	swait.ge [sflag:s30], $0x2000  }
0xbb: {  	[sflag:s30] =	ssyncset.done $0x0  }
0xbc: {  	s7 =	rddreg [dreg:$0xe];
	[sflag:s30] =	ssyncadd.s32 $0xFFFFE000  }
0xbd: {  	[hbm4b:s7+s3] =	stream.linear.scatter [tilespmem:s21], [sflag:$0xA], $0x2000, $0x38;
	[tilespmem:$0x10458] =	vst v63  }
0xbe: {  	_ =	swait.ge [sflag:s31], $0x2000  }
0xbf: {  	[sflag:s31] =	ssyncset.done $0x0  }
0xc0: {  	s9 =	rddreg [dreg:$0xf];
	[sflag:s31] =	ssyncadd.s32 $0xFFFFE000  }
0xc1: {  	[hbm4b:s9+s3] =	stream.linear.scatter [tilespmem:s22], [sflag:$0xA], $0x2000, $0x38;
	[tilespmem:$0x10458] =	vst v63  }
0xc2: {  	_ =	swait.ge [sflag:s1], $0x2000  }
0xc3: {  	[sflag:s1] =	ssyncset.done $0x0  }
0xc4: {  	[sflag:s1] =	ssyncadd.s32 $0xFFFFE000  }
0xc5: {  	_ =	swait.ge [sflag:s1], $0x2000  }
0xc6: {  	[sflag:s1] =	ssyncset.done $0x0  }
0xc7: {  	[sflag:s1] =	ssyncadd.s32 $0xFFFFE000  }
0xc8: {  	_ =	swait.ge [sflag:s1], $0x2000  }
0xc9: {  	[sflag:s1] =	ssyncset.done $0x0  }
0xca: {  	[sflag:s1] =	ssyncadd.s32 $0xFFFFE000  }
0xcb: {  	_ =	swait.ge [sflag:s1], $0x2000  }
0xcc: {  	[sflag:s1] =	ssyncset.done $0x0  }
0xcd: {  	[sflag:s1] =	ssyncadd.s32 $0xFFFFE000  }
0xce: {  	s0 =	sadd.s32 $0xFFFFFFFF, s0;
	_ =	swait.ge [sflag:s1], $0x2000  }
0xcf: {  	p4 =	sne.s32 s0, $0x0;
	[sflag:s1] =	ssyncset.done $0x0  }
.Ltmp1:
0xd0: {  	[sflag:s1] =	ssyncadd.s32 $0xFFFFE000;
	(pc) =	sbr.rel @p4 .LBB2_1-.Ltmp1, $4  }
0xd1: {  	_ =	swait.ge [sflag:s1], $0x2000  }
0xd2: {  	[sflag:s1] =	ssyncset.done $0x0  }
0xd3: {  	[sflag:s1] =	ssyncadd.s32 $0xFFFFE000  }
0xd4: {  	_ =	swait.ge [sflag:s1], $0x2000  }
.LBB2_2:
0xd5: {  	[sflag:s1] =	ssyncset.done $0x0  }
0xd6: {  	[sflag:s1] =	ssyncadd.s32 $0xFFFFE000  }
0xd7: {  	_ =	swait.ge [sflag:s1], $0x2000  }
0xd8: {  	[sflag:s1] =	ssyncset.done $0x0  }
0xd9: {  	[sflag:s1] =	ssyncadd.s32 $0xFFFFE000  }
0xda: {  	_ =	sfence.sel $0x180000  }
0xdb: {  	[bflag:$0x0] =	sbarrier.arrive $0xFFFF  }
0xdc: {  	_ =	strace $0x90000047  }
0xdd: {  	s0 =	stileid.u32;
	[bflag:$0x2] =	sbarrier.arrive $0xFFFF  }
0xde: {  	p0 =	sne.s32 s0, $0x0;
	s0 =	rddreg [dreg:$0x3]  }
0xdf: {  	s0 =	sadd.s32 @!p0 $0x100000, s0  }
0xe0: {  	[sflag:s0] =	ssyncadd.tile.s32 @!p0 $0x1;
	_ =	shalt  }
.Lfunc_end2:
_tile_overlayer_lowered:
.L_overlay_start_2:
0xe1: {  	(tag) =	ssettag $0x2  }
0xe2: {  	s0 =	rddreg [dreg:$0x0];
	s2 =	stileid.u32  }
0xe3: {  	s1 =	rddreg [dreg:$0x1];
	p0 =	sne.s32 s2, $0x0  }
0xe4: {  	s3 =	rddreg [dreg:$0x2];
	[bflag:$0x3] =	sbarrier.arrive $0xFFFF;
	s2 =	simm.s32 @!p0 $0x1C0B  }
0xe5: {  	[timem:s3], [sflag:s2] =	dma.local @!p0 [hbm:s0], s1  }
0xe6: {  	s0 =	simm.s32 @!p0 $0xB  }
0xe7: {  	_ =	swait.ge @!p0 [sflag:s0], s1  }
0xe8: {  	s1 =	ssub.s32 @!p0 $0x0, s1;
	[sflag:s0] =	ssyncset.done @!p0 $0x0  }
0xe9: {  	[sflag:s0] =	ssyncadd.s32 @!p0 s1  }
0xea: {  	[bflag:$0x3] =	sbarrier.arrive $0xFFFF  }
0xeb: {  	_ =	shalt  }

</sc_bundles>
